<compile_context>
chip_gen: v7x
topology: tpu7x:2x2x1
jax: 0.10.2.dev20260603
libtpu: 0.0.44.dev20260713+nightly
codegen_flags: <defaults>
</compile_context>

<pallas_src>
import functools

import jax
import jax.numpy as jnp
from jax import lax
from jax.experimental import pallas as pl
from jax.experimental.pallas import tpu as pltpu
from jax.experimental.pallas import tpu_sc as plsc

N = 10000
E = 160000
IN = 16
HID = 16
EMB = 16
EA = 16
NG = 64
D = 256

NC = 2
NS = 16
NW = NC * NS
CHUNK = 128
KPERW = 40
EPAD = NW * KPERW * CHUNK
EROWS = EPAD // CHUNK
KH = KPERW // 2
EH = EPAD // 2
EHROWS = EROWS // 2
NACC = 10240
STRIPE = NACC // NS
TRASH = N

_f32 = jnp.float32


def _leaky(v):
    return jnp.where(v >= 0, v, 0.01 * v)



def _sc_gather_cnt_body(src2d, dst2d, table, zeros, ones, xg_out, cnt_out,
                        idx_v, didx_v, rows_v, ones_v, acc_sh, sem):
    c = lax.axis_index("c")
    s = lax.axis_index("s")
    wid = s * NC + c
    pltpu.sync_copy(zeros.at[pl.ds(s * STRIPE, STRIPE)],
                    acc_sh.at[pl.ds(s * STRIPE, STRIPE)])
    pltpu.sync_copy(src2d.at[pl.ds(wid * KPERW, KPERW)], idx_v)
    pltpu.sync_copy(dst2d.at[pl.ds(wid * KPERW, KPERW)], didx_v)
    pltpu.sync_copy(ones, ones_v)
    plsc.subcore_barrier()

    def fire(j, carry):
        pltpu.async_copy(table.at[idx_v.at[j]], rows_v.at[j], sem)
        return carry
    lax.fori_loop(0, KPERW, fire, 0)

    def scat(j, carry):
        pltpu.sync_copy(ones_v, acc_sh.at[didx_v.at[j]], add=True)
        return carry
    lax.fori_loop(0, KPERW, scat, 0)

    def drain(j, carry):
        pltpu.make_async_copy(table.at[idx_v.at[j]], rows_v.at[j], sem).wait()
        return carry
    lax.fori_loop(0, KPERW, drain, 0)
    pltpu.sync_copy(rows_v, xg_out.at[pl.ds(wid * KPERW, KPERW)])

    plsc.subcore_barrier()
    pltpu.sync_copy(acc_sh.at[pl.ds(s * STRIPE, STRIPE)],
                    cnt_out.at[c, pl.ds(s * STRIPE, STRIPE)])


def _sc_gather_body(src2d, table, xg_out, idx_v, rows_v, sem):
    c = lax.axis_index("c")
    s = lax.axis_index("s")
    wid = s * NC + c
    pltpu.sync_copy(src2d.at[pl.ds(wid * KPERW, KPERW)], idx_v)

    def fire(j, carry):
        pltpu.async_copy(table.at[idx_v.at[j]], rows_v.at[j], sem)
        return carry
    lax.fori_loop(0, KPERW, fire, 0)

    def drain(j, carry):
        pltpu.make_async_copy(table.at[idx_v.at[j]], rows_v.at[j], sem).wait()
        return carry
    lax.fori_loop(0, KPERW, drain, 0)
    pltpu.sync_copy(rows_v, xg_out.at[pl.ds(wid * KPERW, KPERW)])


def _sc_scatter_body(dst2d, msg_in, zeros, acc_out, didx_v, rows_v, acc_sh):
    c = lax.axis_index("c")
    s = lax.axis_index("s")
    wid = s * NC + c
    pltpu.sync_copy(zeros.at[pl.ds(s * STRIPE, STRIPE)],
                    acc_sh.at[pl.ds(s * STRIPE, STRIPE)])
    pltpu.sync_copy(dst2d.at[pl.ds(wid * KPERW, KPERW)], didx_v)
    pltpu.sync_copy(msg_in.at[pl.ds(wid * KPERW, KPERW)], rows_v)
    plsc.subcore_barrier()

    def scat(j, carry):
        pltpu.sync_copy(rows_v.at[j], acc_sh.at[didx_v.at[j]], add=True)
        return carry
    lax.fori_loop(0, KPERW, scat, 0)

    plsc.subcore_barrier()
    pltpu.sync_copy(acc_sh.at[pl.ds(s * STRIPE, STRIPE)],
                    acc_out.at[c, pl.ds(s * STRIPE, STRIPE)])


@functools.cache
def _sc_kernels():
    mesh = plsc.VectorSubcoreMesh(
        core_axis_name="c", subcore_axis_name="s",
        num_cores=NC, num_subcores=NS)
    params = pltpu.CompilerParams(use_tc_tiling_on_sc=False)
    gather_cnt = pl.kernel(
        _sc_gather_cnt_body,
        out_type=[
            jax.ShapeDtypeStruct((EROWS, CHUNK, 16), _f32),
            jax.ShapeDtypeStruct((NC, NACC, 16), _f32),
        ],
        mesh=mesh,
        scratch_types=[
            pltpu.VMEM((KPERW, CHUNK), jnp.int32),
            pltpu.VMEM((KPERW, CHUNK), jnp.int32),
            pltpu.VMEM((KPERW, CHUNK, 16), _f32),
            pltpu.VMEM((CHUNK, 16), _f32),
            pltpu.VMEM_SHARED((NACC, 16), _f32),
            pltpu.SemaphoreType.DMA,
        ],
        compiler_params=params,
    )
    gather = pl.kernel(
        _sc_gather_body,
        out_type=jax.ShapeDtypeStruct((EROWS, CHUNK, 16), _f32),
        mesh=mesh,
        scratch_types=[
            pltpu.VMEM((KPERW, CHUNK), jnp.int32),
            pltpu.VMEM((KPERW, CHUNK, 16), _f32),
            pltpu.SemaphoreType.DMA,
        ],
        compiler_params=params,
    )
    scatter = pl.kernel(
        _sc_scatter_body,
        out_type=jax.ShapeDtypeStruct((NC, NACC, 16), _f32),
        mesh=mesh,
        scratch_types=[
            pltpu.VMEM((KPERW, CHUNK), jnp.int32),
            pltpu.VMEM((KPERW, CHUNK, 16), _f32),
            pltpu.VMEM_SHARED((NACC, 16), _f32),
        ],
        compiler_params=params,
    )
    return gather_cnt, gather, scatter



BE = 2048
BN = 2048


_HI = jax.lax.Precision.HIGHEST


def _edge_mlp_body(ea_ref, xg_ref, e1w_ref, e1b_ref, e2w_ref, e2b_ref,
                   out_ref):
    ht = jnp.dot(e1w_ref[...], ea_ref[...], preferred_element_type=_f32)
    ht = _leaky(ht + e1b_ref[...])
    wft = jnp.dot(e2w_ref[...], ht, preferred_element_type=_f32)
    wft = wft + e2b_ref[...]
    p = wft.reshape(16, 16, BE) * xg_ref[...][:, None, :]
    out_ref[...] = jnp.sum(p, axis=0)


def _edge_mlp(ea_t, xg_t, e1w_t, e1b_t, e2w_t, e2b_t):
    grid = EPAD // BE
    return pl.pallas_call(
        _edge_mlp_body,
        grid=(grid,),
        in_specs=[
            pl.BlockSpec((16, BE), lambda i: (0, i)),
            pl.BlockSpec((16, BE), lambda i: (0, i)),
            pl.BlockSpec((D, 16), lambda i: (0, 0)),
            pl.BlockSpec((D, 1), lambda i: (0, 0)),
            pl.BlockSpec((D, D), lambda i: (0, 0)),
            pl.BlockSpec((D, 1), lambda i: (0, 0)),
        ],
        out_specs=pl.BlockSpec((16, BE), lambda i: (0, i)),
        out_shape=jax.ShapeDtypeStruct((16, EPAD), _f32),
    )(ea_t, xg_t, e1w_t, e1b_t, e2w_t, e2b_t)


def _aggr_body(acc_ref, cnt_ref, x_ref, root_ref, bias_ref, out_ref, *, leaky):
    a = acc_ref[...]
    s = a[0] + a[1]
    ca = cnt_ref[...]
    cnt = ca[0, :, :1] + ca[1, :, :1]
    r = s / jnp.maximum(cnt, 1.0)
    r = r + jnp.dot(x_ref[...], root_ref[...], preferred_element_type=_f32)
    r = r + bias_ref[...]
    if leaky:
        r = _leaky(r)
    out_ref[...] = r


def _aggr(acc, cnt, x, root, bias, leaky):
    grid = NACC // BN
    return pl.pallas_call(
        functools.partial(_aggr_body, leaky=leaky),
        grid=(grid,),
        in_specs=[
            pl.BlockSpec((NC, BN, 16), lambda i: (0, i, 0)),
            pl.BlockSpec((NC, BN, 16), lambda i: (0, i, 0)),
            pl.BlockSpec((BN, 16), lambda i: (i, 0)),
            pl.BlockSpec((16, 16), lambda i: (0, 0)),
            pl.BlockSpec((1, 16), lambda i: (0, 0)),
        ],
        out_specs=pl.BlockSpec((BN, 16), lambda i: (i, 0)),
        out_shape=jax.ShapeDtypeStruct((NACC, 16), _f32),
    )(acc, cnt, x, root, bias)


def _pool_body(h_ref, w_ref, b_ref, day_ref, sec_ref, m1a_ref, m1d_ref,
               m1s_ref, m1b_ref, m2w_ref, m2b_ref, m3w_ref, m3b_ref,
               out_ref, acc_s, cnt_s):
    i = pl.program_id(0)

    @pl.when(i == 0)
    def _():
        acc_s[...] = jnp.zeros_like(acc_s)
        cnt_s[...] = jnp.zeros_like(cnt_s)

    oh = (b_ref[...] == lax.broadcasted_iota(jnp.int32, (BN, NG), 1))
    oh = oh.astype(_f32)
    w = w_ref[...]
    hv = h_ref[...] * w
    dn = (((0,), (0,)), ((), ()))
    acc_s[...] += lax.dot_general(oh, hv, dn, preferred_element_type=_f32,
                                  precision=_HI)
    cnt_s[...] += lax.dot_general(oh, w, dn, preferred_element_type=_f32,
                                  precision=_HI)

    @pl.when(i == (NACC // BN) - 1)
    def _():
        pooled = acc_s[...] / jnp.maximum(cnt_s[...], 1.0)
        z = jnp.dot(pooled, m1a_ref[...], preferred_element_type=_f32)
        z = z + day_ref[...] * m1d_ref[...] + sec_ref[...] * m1s_ref[...]
        z = _leaky(z + m1b_ref[...])
        z = _leaky(jnp.dot(z, m2w_ref[...], preferred_element_type=_f32)
                   + m2b_ref[...])
        out_ref[...] = (jnp.dot(z, m3w_ref[...], preferred_element_type=_f32)
                        + m3b_ref[...])


def _pool(h, w, b, day, sec, m1a, m1d, m1s, m1b, m2w, m2b, m3w, m3b):
    grid = NACC // BN
    return pl.pallas_call(
        _pool_body,
        grid=(grid,),
        in_specs=[
            pl.BlockSpec((BN, 16), lambda i: (i, 0)),
            pl.BlockSpec((BN, 1), lambda i: (i, 0)),
            pl.BlockSpec((BN, 1), lambda i: (i, 0)),
            pl.BlockSpec((NG, 1), lambda i: (0, 0)),
            pl.BlockSpec((NG, 1), lambda i: (0, 0)),
            pl.BlockSpec((16, 128), lambda i: (0, 0)),
            pl.BlockSpec((1, 128), lambda i: (0, 0)),
            pl.BlockSpec((1, 128), lambda i: (0, 0)),
            pl.BlockSpec((1, 128), lambda i: (0, 0)),
            pl.BlockSpec((128, 128), lambda i: (0, 0)),
            pl.BlockSpec((1, 128), lambda i: (0, 0)),
            pl.BlockSpec((128, 1), lambda i: (0, 0)),
            pl.BlockSpec((1, 1), lambda i: (0, 0)),
        ],
        out_specs=pl.BlockSpec((NG, 1), lambda i: (0, 0)),
        out_shape=jax.ShapeDtypeStruct((NG, 1), _f32),
        scratch_shapes=[
            pltpu.VMEM((NG, 16), _f32),
            pltpu.VMEM((NG, 1), _f32),
        ],
    )(h, w, b, day, sec, m1a, m1d, m1s, m1b, m2w, m2b, m3w, m3b)



@jax.jit
def kernel(x, edge_index, edge_attr, trip_mask, batch, day, sec,
           c1_e1w, c1_e1b, c1_e2w, c1_e2b, c1_root, c1_bias,
           c2_e1w, c2_e1b, c2_e2w, c2_e2b, c2_root, c2_bias,
           m1w, m1b, m2w, m2b, m3w, m3b):
    src = edge_index[0].astype(jnp.int32)
    dst = edge_index[1].astype(jnp.int32)
    src2d = jnp.concatenate(
        [src, jnp.zeros((EPAD - E,), jnp.int32)]).reshape(EROWS, CHUNK)
    dst2d = jnp.concatenate(
        [dst, jnp.full((EPAD - E,), TRASH, jnp.int32)]).reshape(EROWS, CHUNK)
    ea_p = jnp.concatenate(
        [edge_attr, jnp.zeros((EPAD - E, EA), _f32)], axis=0)
    x_p = jnp.concatenate([x, jnp.zeros((NACC - N, IN), _f32)], axis=0)
    zeros_acc = jnp.zeros((NACC, 16), _f32)
    ones_chunk = jnp.ones((CHUNK, 16), _f32)
    _gather_cnt, _gather, _scatter = _sc_kernels()

    ea_t = ea_p.T

    xg3, cntp = _gather_cnt(src2d, dst2d, x_p, zeros_acc, ones_chunk)
    msg1_t = _edge_mlp(ea_t, xg3.reshape(EPAD, 16).T,
                       c1_e1w.T, c1_e1b.reshape(D, 1), c1_e2w.T,
                       c1_e2b.reshape(D, 1))
    acc1 = _scatter(dst2d, msg1_t.T.reshape(EROWS, CHUNK, 16), zeros_acc)
    h1 = _aggr(acc1, cntp, x_p, c1_root, c1_bias.reshape(1, 16), leaky=True)

    hg3 = _gather(src2d, h1)
    msg2_t = _edge_mlp(ea_t, hg3.reshape(EPAD, 16).T,
                       c2_e1w.T, c2_e1b.reshape(D, 1), c2_e2w.T,
                       c2_e2b.reshape(D, 1))
    acc2 = _scatter(dst2d, msg2_t.T.reshape(EROWS, CHUNK, 16), zeros_acc)
    h2 = _aggr(acc2, cntp, h1, c2_root, c2_bias.reshape(1, 16), leaky=False)

    w_p = jnp.concatenate(
        [trip_mask.astype(_f32), jnp.zeros((NACC - N,), _f32)]).reshape(NACC, 1)
    b_p = jnp.concatenate(
        [batch.astype(jnp.int32),
         jnp.full((NACC - N,), NG, jnp.int32)]).reshape(NACC, 1)
    return _pool(h2, w_p, b_p, day.reshape(NG, 1), sec.reshape(NG, 1),
                 m1w[:16], m1w[16:17], m1w[17:18], m1b.reshape(1, 128),
                 m2w, m2b.reshape(1, 128), m3w, m3b.reshape(1, 1))

# --- scband reference (transcript-rebuilt; emitter-appended) ---
"""Pipeline reference for scband-end-of-trip-delay-65335042506767 (READ-ONLY COPY).

The authoritative reference and input builder live on the scoring server;
editing this copy changes nothing except your own understanding.
"""

import jax, jax.numpy as jnp
import numpy as np

N = 10000
E = 160000
IN = 16
HID = 16
EMB = 16
EA = 16
NG = 64

def _w(key, fi, fo):
    return (jax.random.normal(key, (fi, fo), dtype=jnp.float32) * (1.0 / np.sqrt(fi))).astype(jnp.float32)

def setup_inputs(seed: int = 0):
    key = jax.random.key(seed)
    ks = jax.random.split(key, 30)
    inp = {}
    inp['x'] = jax.random.normal(ks[0], (N, IN), dtype=jnp.float32)
    inp['edge_index'] = jax.random.randint(ks[1], (2, E), 0, N)
    inp['edge_attr'] = jax.random.uniform(ks[2], (E, EA), dtype=jnp.float32)
    inp['trip_mask'] = jax.random.randint(ks[3], (N,), 0, 2) > 0
    inp['batch'] = jnp.sort(jax.random.randint(ks[4], (N,), 0, NG))
    inp['day'] = jax.random.uniform(ks[5], (NG,), dtype=jnp.float32)
    inp['sec'] = jax.random.uniform(ks[6], (NG,), dtype=jnp.float32)
    dims = [(IN, HID), (HID, EMB)]
    for li, (ci, co) in enumerate(dims):
        D = ci * co
        p = 'c%d_' % (li + 1)
        inp[p + 'e1w'] = _w(ks[7 + 6 * li], EA, D)
        inp[p + 'e1b'] = jnp.zeros((D,), dtype=jnp.float32)
        inp[p + 'e2w'] = _w(ks[8 + 6 * li], D, D) * 0.01
        inp[p + 'e2b'] = jnp.zeros((D,), dtype=jnp.float32)
        inp[p + 'root'] = _w(ks[9 + 6 * li], ci, co)
        inp[p + 'bias'] = jnp.zeros((co,), dtype=jnp.float32)
    mdims = [EMB + 2, 128, 128, 1]
    for li in range(3):
        inp['m%dw' % (li + 1)] = _w(ks[20 + li], mdims[li], mdims[li + 1])
        inp['m%db' % (li + 1)] = jnp.zeros((mdims[li + 1],), dtype=jnp.float32)
    return inp

def _nnconv(x, src, dst, edge_attr, e1w, e1b, e2w, e2b, root, bias, ci, co):
    h = edge_attr @ e1w + e1b
    h = jax.nn.leaky_relu(h, 0.01)
    Wf = h @ e2w + e2b
    We = Wf.reshape(-1, ci, co)
    msg = jnp.einsum('ei,eio->eo', x[src], We)
    s = jax.ops.segment_sum(msg, dst, num_segments=N)
    cnt = jax.ops.segment_sum(jnp.ones((dst.shape[0],), dtype=msg.dtype), dst, num_segments=N)
    aggr = s / jnp.clip(cnt, 1.0)[:, None]
    return aggr + x @ root + bias

def reference(x, edge_index, edge_attr, trip_mask, batch, day, sec, c1_e1w, c1_e1b, c1_e2w, c1_e2b, c1_root, c1_bias, c2_e1w, c2_e1b, c2_e2w, c2_e2b, c2_root, c2_bias, m1w, m1b, m2w, m2b, m3w, m3b):
    src = edge_index[0]
    dst = edge_index[1]
    h = _nnconv(x, src, dst, edge_attr, c1_e1w, c1_e1b, c1_e2w, c1_e2b, c1_root, c1_bias, IN, HID)
    h = jax.nn.leaky_relu(h, 0.01)
    h = _nnconv(h, src, dst, edge_attr, c2_e1w, c2_e1b, c2_e2w, c2_e2b, c2_root, c2_bias, HID, EMB)
    w = trip_mask.astype(h.dtype)
    sums = jax.ops.segment_sum(h * w[:, None], batch, num_segments=NG)
    cnt = jax.ops.segment_sum(w, batch, num_segments=NG)
    pooled = sums / jnp.clip(cnt, 1.0)[:, None]
    z = jnp.concatenate([pooled, day[:, None], sec[:, None]], axis=-1)
    z = jax.nn.leaky_relu(z @ m1w + m1b, 0.01)
    z = jax.nn.leaky_relu(z @ m2w + m2b, 0.01)
    return z @ m3w + m3b

if __name__ == "__main__":
    import jax
    _d = setup_inputs()
    print(jax.jit(kernel)(*tuple(_d.values())))

</pallas_src>

<mosaic_0001>
#map = affine_map<(d0, d1) -> (0, 0)>
#map1 = affine_map<(d0, d1) -> (0, 0, 0)>
module attributes {stable_mosaic.version = 14 : i64} {
  func.func @_sc_gather_cnt_body(%arg0: i32, %arg1: i32, %arg2: memref<1280x128xi32, #tpu.memory_space<hbm>>, %arg3: memref<1280x128xi32, #tpu.memory_space<hbm>>, %arg4: memref<10240x16xf32, #tpu.memory_space<hbm>>, %arg5: memref<10240x16xf32, #tpu.memory_space<hbm>>, %arg6: memref<128x16xf32, #tpu.memory_space<hbm>>, %arg7: memref<1280x128x16xf32, #tpu.memory_space<hbm>>, %arg8: memref<2x10240x16xf32, #tpu.memory_space<hbm>>, %arg9: memref<40x128xi32, #tpu.memory_space<vmem>>, %arg10: memref<40x128xi32, #tpu.memory_space<vmem>>, %arg11: memref<40x128x16xf32, #tpu.memory_space<vmem>>, %arg12: memref<128x16xf32, #tpu.memory_space<vmem>>, %arg13: memref<10240x16xf32, #tpu.memory_space<vmem_shared>>, %arg14: memref<!tpu.dma_semaphore, #tpu.memory_space<semaphore_mem>>) attributes {dimension_semantics = [#tpu.dimension_semantics<core_parallel>, #tpu.dimension_semantics<subcore_parallel>], iteration_bounds = array<i64: 2, 16>, scalar_prefetch = 0 : i64, scratch_operands = 6 : i64, tpu.core_type = #tpu.core_type<sc_vector_subcore>, window_params = [{transform_indices = #map}, {transform_indices = #map}, {transform_indices = #map}, {transform_indices = #map}, {transform_indices = #map}, {transform_indices = #map1}, {transform_indices = #map1}]} {
    %mul3A = arith.constant 2 : i32
    %mul3A_0 = arith.muli %arg1, %mul3A : i32
    %add3A = arith.addi %mul3A_0, %arg0 : i32
    %mul3A_1 = arith.constant 640 : i32
    %mul3A_2 = arith.muli %arg1, %mul3A_1 : i32
    %mul3A_3 = arith.constant 640 : i32
    %mul3A_4 = arith.muli %arg1, %mul3A_3 : i32
    "tpu.region"() ({
      %run_scoped3A = tpu.sem_alloc : memref<!tpu.dma_semaphore, #tpu.memory_space<semaphore_mem>>
      %dma_start3A = arith.constant 0 : i32
      %dma_start3A_33 = tpu.memref_slice %arg13[%mul3A_4, %dma_start3A] : memref<10240x16xf32, #tpu.memory_space<vmem_shared>> -> memref<640x16xf32, #tpu.memory_space<vmem_shared>>
      %dma_start3A_34 = arith.constant 0 : i32
      %dma_start3A_35 = tpu.memref_slice %arg5[%mul3A_2, %dma_start3A_34] : memref<10240x16xf32, #tpu.memory_space<hbm>> -> memref<640x16xf32, #tpu.memory_space<hbm>>
      tpu.enqueue_dma source(%dma_start3A_35 : memref<640x16xf32, #tpu.memory_space<hbm>>) target(%dma_start3A_33 : memref<640x16xf32, #tpu.memory_space<vmem_shared>>) target_semaphore(%run_scoped3A : memref<!tpu.dma_semaphore, #tpu.memory_space<semaphore_mem>>)
      %dma_wait3A = arith.constant 0 : i32
      %dma_wait3A_36 = tpu.memref_slice %arg13[%mul3A_4, %dma_wait3A] : memref<10240x16xf32, #tpu.memory_space<vmem_shared>> -> memref<640x16xf32, #tpu.memory_space<vmem_shared>>
      %dma_wait3A_37 = arith.constant 0 : i32
      %dma_wait3A_38 = tpu.memref_slice %arg5[%mul3A_2, %dma_wait3A_37] : memref<10240x16xf32, #tpu.memory_space<hbm>> -> memref<640x16xf32, #tpu.memory_space<hbm>>
      tpu.wait_dma2 semaphore(%run_scoped3A : memref<!tpu.dma_semaphore, #tpu.memory_space<semaphore_mem>>) src(%dma_wait3A_38 : memref<640x16xf32, #tpu.memory_space<hbm>>) dst(%dma_wait3A_36 : memref<640x16xf32, #tpu.memory_space<vmem_shared>>)
      tpu.yield
    }) : () -> ()
    %mul3A_5 = arith.constant 40 : i32
    %mul3A_6 = arith.muli %add3A, %mul3A_5 : i32
    "tpu.region"() ({
      %run_scoped3A = tpu.sem_alloc : memref<!tpu.dma_semaphore, #tpu.memory_space<semaphore_mem>>
      %dma_start3A = arith.constant 0 : i32
      %dma_start3A_33 = tpu.memref_slice %arg2[%mul3A_6, %dma_start3A] : memref<1280x128xi32, #tpu.memory_space<hbm>> -> memref<40x128xi32, #tpu.memory_space<hbm>>
      %dma_start3A_34 = arith.constant 0 : i32
      %dma_start3A_35 = tpu.memref_slice %arg2[%mul3A_6, %dma_start3A_34] : memref<1280x128xi32, #tpu.memory_space<hbm>> -> memref<40x128xi32, #tpu.memory_space<hbm>>
      tpu.enqueue_dma source(%dma_start3A_35 : memref<40x128xi32, #tpu.memory_space<hbm>>) target(%arg9 : memref<40x128xi32, #tpu.memory_space<vmem>>) target_semaphore(%run_scoped3A : memref<!tpu.dma_semaphore, #tpu.memory_space<semaphore_mem>>)
      %dma_wait3A = arith.constant 0 : i32
      %dma_wait3A_36 = tpu.memref_slice %arg2[%mul3A_6, %dma_wait3A] : memref<1280x128xi32, #tpu.memory_space<hbm>> -> memref<40x128xi32, #tpu.memory_space<hbm>>
      %dma_wait3A_37 = arith.constant 0 : i32
      %dma_wait3A_38 = tpu.memref_slice %arg2[%mul3A_6, %dma_wait3A_37] : memref<1280x128xi32, #tpu.memory_space<hbm>> -> memref<40x128xi32, #tpu.memory_space<hbm>>
      tpu.wait_dma2 semaphore(%run_scoped3A : memref<!tpu.dma_semaphore, #tpu.memory_space<semaphore_mem>>) src(%dma_wait3A_38 : memref<40x128xi32, #tpu.memory_space<hbm>>) dst(%arg9 : memref<40x128xi32, #tpu.memory_space<vmem>>)
      tpu.yield
    }) : () -> ()
    %mul3A_7 = arith.constant 40 : i32
    %mul3A_8 = arith.muli %add3A, %mul3A_7 : i32
    "tpu.region"() ({
      %run_scoped3A = tpu.sem_alloc : memref<!tpu.dma_semaphore, #tpu.memory_space<semaphore_mem>>
      %dma_start3A = arith.constant 0 : i32
      %dma_start3A_33 = tpu.memref_slice %arg3[%mul3A_8, %dma_start3A] : memref<1280x128xi32, #tpu.memory_space<hbm>> -> memref<40x128xi32, #tpu.memory_space<hbm>>
      %dma_start3A_34 = arith.constant 0 : i32
      %dma_start3A_35 = tpu.memref_slice %arg3[%mul3A_8, %dma_start3A_34] : memref<1280x128xi32, #tpu.memory_space<hbm>> -> memref<40x128xi32, #tpu.memory_space<hbm>>
      tpu.enqueue_dma source(%dma_start3A_35 : memref<40x128xi32, #tpu.memory_space<hbm>>) target(%arg10 : memref<40x128xi32, #tpu.memory_space<vmem>>) target_semaphore(%run_scoped3A : memref<!tpu.dma_semaphore, #tpu.memory_space<semaphore_mem>>)
      %dma_wait3A = arith.constant 0 : i32
      %dma_wait3A_36 = tpu.memref_slice %arg3[%mul3A_8, %dma_wait3A] : memref<1280x128xi32, #tpu.memory_space<hbm>> -> memref<40x128xi32, #tpu.memory_space<hbm>>
      %dma_wait3A_37 = arith.constant 0 : i32
      %dma_wait3A_38 = tpu.memref_slice %arg3[%mul3A_8, %dma_wait3A_37] : memref<1280x128xi32, #tpu.memory_space<hbm>> -> memref<40x128xi32, #tpu.memory_space<hbm>>
      tpu.wait_dma2 semaphore(%run_scoped3A : memref<!tpu.dma_semaphore, #tpu.memory_space<semaphore_mem>>) src(%dma_wait3A_38 : memref<40x128xi32, #tpu.memory_space<hbm>>) dst(%arg10 : memref<40x128xi32, #tpu.memory_space<vmem>>)
      tpu.yield
    }) : () -> ()
    "tpu.region"() ({
      %run_scoped3A = tpu.sem_alloc : memref<!tpu.dma_semaphore, #tpu.memory_space<semaphore_mem>>
      tpu.enqueue_dma source(%arg6 : memref<128x16xf32, #tpu.memory_space<hbm>>) target(%arg12 : memref<128x16xf32, #tpu.memory_space<vmem>>) target_semaphore(%run_scoped3A : memref<!tpu.dma_semaphore, #tpu.memory_space<semaphore_mem>>)
      tpu.wait_dma2 semaphore(%run_scoped3A : memref<!tpu.dma_semaphore, #tpu.memory_space<semaphore_mem>>) src(%arg6 : memref<128x16xf32, #tpu.memory_space<hbm>>) dst(%arg12 : memref<128x16xf32, #tpu.memory_space<vmem>>)
      tpu.yield
    }) : () -> ()
    %barrier3A = arith.constant 0 : index
    tpu.barrier barrier_id(%barrier3A)
    %scan3A = arith.constant 0 : i32
    %scan3A_9 = arith.constant 0 : i32
    %scan3A_10 = arith.constant 40 : i32
    %scan3A_11 = arith.addi %scan3A_9, %scan3A_10 : i32
    %scan3A_12 = arith.constant 1 : i32
    scf.for %scan3A_33 = %scan3A_9 to %scan3A_11 step %scan3A_12  : i32 {
      %dma_start3A = arith.constant 0 : i32
      %dma_start3A_34 = arith.constant 0 : i32
      %dma_start3A_35 = tpu.memref_slice %arg11[%scan3A_33, %dma_start3A, %dma_start3A_34] : memref<40x128x16xf32, #tpu.memory_space<vmem>> -> memref<1x128x16xf32, #tpu.memory_space<vmem>>
      %dma_start3A_36 = tpu.memref_squeeze %dma_start3A_35 : memref<1x128x16xf32, #tpu.memory_space<vmem>> -> memref<128x16xf32, #tpu.memory_space<vmem>>
      %dma_start3A_37 = arith.constant 0 : i32
      %dma_start3A_38 = tpu.memref_slice %arg9[%scan3A_33, %dma_start3A_37] : memref<40x128xi32, #tpu.memory_space<vmem>> -> memref<1x128xi32, #tpu.memory_space<vmem>>
      %dma_start3A_39 = tpu.memref_squeeze %dma_start3A_38 : memref<1x128xi32, #tpu.memory_space<vmem>> -> memref<128xi32, #tpu.memory_space<vmem>>
      %dma_start3A_40 = arith.constant 0 : i32
      %dma_start3A_41 = arith.constant 0 : i32
      %dma_start3A_42 = tpu.memref_slice %arg4[%dma_start3A_40, %dma_start3A_41] : memref<10240x16xf32, #tpu.memory_space<hbm>> -> memref<10240x16xf32, #tpu.memory_space<hbm>>
      tpu.enqueue_indirect_dma source(%dma_start3A_42 : memref<10240x16xf32, #tpu.memory_space<hbm>>) target(%dma_start3A_36 : memref<128x16xf32, #tpu.memory_space<vmem>>) offsets(%dma_start3A_39 : memref<128xi32, #tpu.memory_space<vmem>>) semaphore(%arg14 : memref<!tpu.dma_semaphore, #tpu.memory_space<semaphore_mem>>)
    }
    %scan3A_13 = arith.constant 40 : i32
    %scan3A_14 = arith.constant 0 : i32
    %scan3A_15 = arith.constant 0 : i32
    %scan3A_16 = arith.constant 40 : i32
    %scan3A_17 = arith.addi %scan3A_15, %scan3A_16 : i32
    %scan3A_18 = arith.constant 1 : i32
    scf.for %scan3A_33 = %scan3A_15 to %scan3A_17 step %scan3A_18  : i32 {
      "tpu.region"() ({
        %run_scoped3A = tpu.sem_alloc : memref<!tpu.dma_semaphore, #tpu.memory_space<semaphore_mem>>
        %dma_start3A = arith.constant 0 : i32
        %dma_start3A_34 = tpu.memref_slice %arg10[%scan3A_33, %dma_start3A] : memref<40x128xi32, #tpu.memory_space<vmem>> -> memref<1x128xi32, #tpu.memory_space<vmem>>
        %dma_start3A_35 = tpu.memref_squeeze %dma_start3A_34 : memref<1x128xi32, #tpu.memory_space<vmem>> -> memref<128xi32, #tpu.memory_space<vmem>>
        %dma_start3A_36 = arith.constant 0 : i32
        %dma_start3A_37 = arith.constant 0 : i32
        %dma_start3A_38 = tpu.memref_slice %arg13[%dma_start3A_36, %dma_start3A_37] : memref<10240x16xf32, #tpu.memory_space<vmem_shared>> -> memref<10240x16xf32, #tpu.memory_space<vmem_shared>>
        tpu.enqueue_indirect_dma source(%arg12 : memref<128x16xf32, #tpu.memory_space<vmem>>) target(%dma_start3A_38 : memref<10240x16xf32, #tpu.memory_space<vmem_shared>>) offsets(%dma_start3A_35 : memref<128xi32, #tpu.memory_space<vmem>>) semaphore(%run_scoped3A : memref<!tpu.dma_semaphore, #tpu.memory_space<semaphore_mem>>) {add = true}
        %dma_wait3A = arith.constant 0 : i32
        %dma_wait3A_39 = tpu.memref_slice %arg10[%scan3A_33, %dma_wait3A] : memref<40x128xi32, #tpu.memory_space<vmem>> -> memref<1x128xi32, #tpu.memory_space<vmem>>
        %dma_wait3A_40 = tpu.memref_squeeze %dma_wait3A_39 : memref<1x128xi32, #tpu.memory_space<vmem>> -> memref<128xi32, #tpu.memory_space<vmem>>
        %dma_wait3A_41 = arith.constant 0 : i32
        %dma_wait3A_42 = arith.constant 0 : i32
        %dma_wait3A_43 = tpu.memref_slice %arg13[%dma_wait3A_41, %dma_wait3A_42] : memref<10240x16xf32, #tpu.memory_space<vmem_shared>> -> memref<10240x16xf32, #tpu.memory_space<vmem_shared>>
        tpu.wait_indirect_dma semaphore(%run_scoped3A : memref<!tpu.dma_semaphore, #tpu.memory_space<semaphore_mem>>) src(%arg12 : memref<128x16xf32, #tpu.memory_space<vmem>>) dst(%dma_wait3A_43 : memref<10240x16xf32, #tpu.memory_space<vmem_shared>>)
        tpu.yield
      }) : () -> ()
    }
    %scan3A_19 = arith.constant 40 : i32
    %scan3A_20 = arith.constant 0 : i32
    %scan3A_21 = arith.constant 0 : i32
    %scan3A_22 = arith.constant 40 : i32
    %scan3A_23 = arith.addi %scan3A_21, %scan3A_22 : i32
    %scan3A_24 = arith.constant 1 : i32
    scf.for %scan3A_33 = %scan3A_21 to %scan3A_23 step %scan3A_24  : i32 {
      %dma_wait3A = arith.constant 0 : i32
      %dma_wait3A_34 = arith.constant 0 : i32
      %dma_wait3A_35 = tpu.memref_slice %arg11[%scan3A_33, %dma_wait3A, %dma_wait3A_34] : memref<40x128x16xf32, #tpu.memory_space<vmem>> -> memref<1x128x16xf32, #tpu.memory_space<vmem>>
      %dma_wait3A_36 = tpu.memref_squeeze %dma_wait3A_35 : memref<1x128x16xf32, #tpu.memory_space<vmem>> -> memref<128x16xf32, #tpu.memory_space<vmem>>
      %dma_wait3A_37 = arith.constant 0 : i32
      %dma_wait3A_38 = tpu.memref_slice %arg9[%scan3A_33, %dma_wait3A_37] : memref<40x128xi32, #tpu.memory_space<vmem>> -> memref<1x128xi32, #tpu.memory_space<vmem>>
      %dma_wait3A_39 = tpu.memref_squeeze %dma_wait3A_38 : memref<1x128xi32, #tpu.memory_space<vmem>> -> memref<128xi32, #tpu.memory_space<vmem>>
      %dma_wait3A_40 = arith.constant 0 : i32
      %dma_wait3A_41 = arith.constant 0 : i32
      %dma_wait3A_42 = tpu.memref_slice %arg4[%dma_wait3A_40, %dma_wait3A_41] : memref<10240x16xf32, #tpu.memory_space<hbm>> -> memref<10240x16xf32, #tpu.memory_space<hbm>>
      tpu.wait_indirect_dma semaphore(%arg14 : memref<!tpu.dma_semaphore, #tpu.memory_space<semaphore_mem>>) src(%dma_wait3A_42 : memref<10240x16xf32, #tpu.memory_space<hbm>>) dst(%dma_wait3A_36 : memref<128x16xf32, #tpu.memory_space<vmem>>)
    }
    %scan3A_25 = arith.constant 40 : i32
    %mul3A_26 = arith.constant 40 : i32
    %mul3A_27 = arith.muli %add3A, %mul3A_26 : i32
    "tpu.region"() ({
      %run_scoped3A = tpu.sem_alloc : memref<!tpu.dma_semaphore, #tpu.memory_space<semaphore_mem>>
      %dma_start3A = arith.constant 0 : i32
      %dma_start3A_33 = arith.constant 0 : i32
      %dma_start3A_34 = tpu.memref_slice %arg7[%mul3A_27, %dma_start3A, %dma_start3A_33] : memref<1280x128x16xf32, #tpu.memory_space<hbm>> -> memref<40x128x16xf32, #tpu.memory_space<hbm>>
      %dma_start3A_35 = arith.constant 0 : i32
      %dma_start3A_36 = arith.constant 0 : i32
      %dma_start3A_37 = tpu.memref_slice %arg7[%mul3A_27, %dma_start3A_35, %dma_start3A_36] : memref<1280x128x16xf32, #tpu.memory_space<hbm>> -> memref<40x128x16xf32, #tpu.memory_space<hbm>>
      tpu.enqueue_dma source(%arg11 : memref<40x128x16xf32, #tpu.memory_space<vmem>>) target(%dma_start3A_37 : memref<40x128x16xf32, #tpu.memory_space<hbm>>) target_semaphore(%run_scoped3A : memref<!tpu.dma_semaphore, #tpu.memory_space<semaphore_mem>>)
      %dma_wait3A = arith.constant 0 : i32
      %dma_wait3A_38 = arith.constant 0 : i32
      %dma_wait3A_39 = tpu.memref_slice %arg7[%mul3A_27, %dma_wait3A, %dma_wait3A_38] : memref<1280x128x16xf32, #tpu.memory_space<hbm>> -> memref<40x128x16xf32, #tpu.memory_space<hbm>>
      %dma_wait3A_40 = arith.constant 0 : i32
      %dma_wait3A_41 = arith.constant 0 : i32
      %dma_wait3A_42 = tpu.memref_slice %arg7[%mul3A_27, %dma_wait3A_40, %dma_wait3A_41] : memref<1280x128x16xf32, #tpu.memory_space<hbm>> -> memref<40x128x16xf32, #tpu.memory_space<hbm>>
      tpu.wait_dma2 semaphore(%run_scoped3A : memref<!tpu.dma_semaphore, #tpu.memory_space<semaphore_mem>>) src(%arg11 : memref<40x128x16xf32, #tpu.memory_space<vmem>>) dst(%dma_wait3A_42 : memref<40x128x16xf32, #tpu.memory_space<hbm>>)
      tpu.yield
    }) : () -> ()
    %barrier3A_28 = arith.constant 0 : index
    tpu.barrier barrier_id(%barrier3A_28)
    %mul3A_29 = arith.constant 640 : i32
    %mul3A_30 = arith.muli %arg1, %mul3A_29 : i32
    %mul3A_31 = arith.constant 640 : i32
    %mul3A_32 = arith.muli %arg1, %mul3A_31 : i32
    "tpu.region"() ({
      %run_scoped3A = tpu.sem_alloc : memref<!tpu.dma_semaphore, #tpu.memory_space<semaphore_mem>>
      %dma_start3A = arith.constant 0 : i32
      %dma_start3A_33 = tpu.memref_slice %arg8[%arg0, %mul3A_32, %dma_start3A] : memref<2x10240x16xf32, #tpu.memory_space<hbm>> -> memref<1x640x16xf32, #tpu.memory_space<hbm>>
      %dma_start3A_34 = tpu.memref_squeeze %dma_start3A_33 : memref<1x640x16xf32, #tpu.memory_space<hbm>> -> memref<640x16xf32, #tpu.memory_space<hbm>>
      %dma_start3A_35 = arith.constant 0 : i32
      %dma_start3A_36 = tpu.memref_slice %arg13[%mul3A_30, %dma_start3A_35] : memref<10240x16xf32, #tpu.memory_space<vmem_shared>> -> memref<640x16xf32, #tpu.memory_space<vmem_shared>>
      tpu.enqueue_dma source(%dma_start3A_36 : memref<640x16xf32, #tpu.memory_space<vmem_shared>>) target(%dma_start3A_34 : memref<640x16xf32, #tpu.memory_space<hbm>>) target_semaphore(%run_scoped3A : memref<!tpu.dma_semaphore, #tpu.memory_space<semaphore_mem>>)
      %dma_wait3A = arith.constant 0 : i32
      %dma_wait3A_37 = tpu.memref_slice %arg8[%arg0, %mul3A_32, %dma_wait3A] : memref<2x10240x16xf32, #tpu.memory_space<hbm>> -> memref<1x640x16xf32, #tpu.memory_space<hbm>>
      %dma_wait3A_38 = tpu.memref_squeeze %dma_wait3A_37 : memref<1x640x16xf32, #tpu.memory_space<hbm>> -> memref<640x16xf32, #tpu.memory_space<hbm>>
      %dma_wait3A_39 = arith.constant 0 : i32
      %dma_wait3A_40 = tpu.memref_slice %arg13[%mul3A_30, %dma_wait3A_39] : memref<10240x16xf32, #tpu.memory_space<vmem_shared>> -> memref<640x16xf32, #tpu.memory_space<vmem_shared>>
      tpu.wait_dma2 semaphore(%run_scoped3A : memref<!tpu.dma_semaphore, #tpu.memory_space<semaphore_mem>>) src(%dma_wait3A_40 : memref<640x16xf32, #tpu.memory_space<vmem_shared>>) dst(%dma_wait3A_38 : memref<640x16xf32, #tpu.memory_space<hbm>>)
      tpu.yield
    }) : () -> ()
    return
  }
}

#map = affine_map<(d0, d1) -> (0, 0)>
#map1 = affine_map<(d0, d1) -> (0, 0, 0)>
module attributes {stable_mosaic.version = 14 : i64} {
  func.func @_sc_scatter_body(%arg0: i32, %arg1: i32, %arg2: memref<1280x128xi32, #tpu.memory_space<hbm>>, %arg3: memref<1280x128x16xf32, #tpu.memory_space<hbm>>, %arg4: memref<10240x16xf32, #tpu.memory_space<hbm>>, %arg5: memref<2x10240x16xf32, #tpu.memory_space<hbm>>, %arg6: memref<40x128xi32, #tpu.memory_space<vmem>>, %arg7: memref<40x128x16xf32, #tpu.memory_space<vmem>>, %arg8: memref<10240x16xf32, #tpu.memory_space<vmem_shared>>) attributes {dimension_semantics = [#tpu.dimension_semantics<core_parallel>, #tpu.dimension_semantics<subcore_parallel>], iteration_bounds = array<i64: 2, 16>, scalar_prefetch = 0 : i64, scratch_operands = 3 : i64, tpu.core_type = #tpu.core_type<sc_vector_subcore>, window_params = [{transform_indices = #map}, {transform_indices = #map1}, {transform_indices = #map}, {transform_indices = #map1}]} {
    %mul3A = arith.constant 2 : i32
    %mul3A_0 = arith.muli %arg1, %mul3A : i32
    %add3A = arith.addi %mul3A_0, %arg0 : i32
    %mul3A_1 = arith.constant 640 : i32
    %mul3A_2 = arith.muli %arg1, %mul3A_1 : i32
    %mul3A_3 = arith.constant 640 : i32
    %mul3A_4 = arith.muli %arg1, %mul3A_3 : i32
    "tpu.region"() ({
      %run_scoped3A = tpu.sem_alloc : memref<!tpu.dma_semaphore, #tpu.memory_space<semaphore_mem>>
      %dma_start3A = arith.constant 0 : i32
      %dma_start3A_19 = tpu.memref_slice %arg8[%mul3A_4, %dma_start3A] : memref<10240x16xf32, #tpu.memory_space<vmem_shared>> -> memref<640x16xf32, #tpu.memory_space<vmem_shared>>
      %dma_start3A_20 = arith.constant 0 : i32
      %dma_start3A_21 = tpu.memref_slice %arg4[%mul3A_2, %dma_start3A_20] : memref<10240x16xf32, #tpu.memory_space<hbm>> -> memref<640x16xf32, #tpu.memory_space<hbm>>
      tpu.enqueue_dma source(%dma_start3A_21 : memref<640x16xf32, #tpu.memory_space<hbm>>) target(%dma_start3A_19 : memref<640x16xf32, #tpu.memory_space<vmem_shared>>) target_semaphore(%run_scoped3A : memref<!tpu.dma_semaphore, #tpu.memory_space<semaphore_mem>>)
      %dma_wait3A = arith.constant 0 : i32
      %dma_wait3A_22 = tpu.memref_slice %arg8[%mul3A_4, %dma_wait3A] : memref<10240x16xf32, #tpu.memory_space<vmem_shared>> -> memref<640x16xf32, #tpu.memory_space<vmem_shared>>
      %dma_wait3A_23 = arith.constant 0 : i32
      %dma_wait3A_24 = tpu.memref_slice %arg4[%mul3A_2, %dma_wait3A_23] : memref<10240x16xf32, #tpu.memory_space<hbm>> -> memref<640x16xf32, #tpu.memory_space<hbm>>
      tpu.wait_dma2 semaphore(%run_scoped3A : memref<!tpu.dma_semaphore, #tpu.memory_space<semaphore_mem>>) src(%dma_wait3A_24 : memref<640x16xf32, #tpu.memory_space<hbm>>) dst(%dma_wait3A_22 : memref<640x16xf32, #tpu.memory_space<vmem_shared>>)
      tpu.yield
    }) : () -> ()
    %mul3A_5 = arith.constant 40 : i32
    %mul3A_6 = arith.muli %add3A, %mul3A_5 : i32
    "tpu.region"() ({
      %run_scoped3A = tpu.sem_alloc : memref<!tpu.dma_semaphore, #tpu.memory_space<semaphore_mem>>
      %dma_start3A = arith.constant 0 : i32
      %dma_start3A_19 = tpu.memref_slice %arg2[%mul3A_6, %dma_start3A] : memref<1280x128xi32, #tpu.memory_space<hbm>> -> memref<40x128xi32, #tpu.memory_space<hbm>>
      %dma_start3A_20 = arith.constant 0 : i32
      %dma_start3A_21 = tpu.memref_slice %arg2[%mul3A_6, %dma_start3A_20] : memref<1280x128xi32, #tpu.memory_space<hbm>> -> memref<40x128xi32, #tpu.memory_space<hbm>>
      tpu.enqueue_dma source(%dma_start3A_21 : memref<40x128xi32, #tpu.memory_space<hbm>>) target(%arg6 : memref<40x128xi32, #tpu.memory_space<vmem>>) target_semaphore(%run_scoped3A : memref<!tpu.dma_semaphore, #tpu.memory_space<semaphore_mem>>)
      %dma_wait3A = arith.constant 0 : i32
      %dma_wait3A_22 = tpu.memref_slice %arg2[%mul3A_6, %dma_wait3A] : memref<1280x128xi32, #tpu.memory_space<hbm>> -> memref<40x128xi32, #tpu.memory_space<hbm>>
      %dma_wait3A_23 = arith.constant 0 : i32
      %dma_wait3A_24 = tpu.memref_slice %arg2[%mul3A_6, %dma_wait3A_23] : memref<1280x128xi32, #tpu.memory_space<hbm>> -> memref<40x128xi32, #tpu.memory_space<hbm>>
      tpu.wait_dma2 semaphore(%run_scoped3A : memref<!tpu.dma_semaphore, #tpu.memory_space<semaphore_mem>>) src(%dma_wait3A_24 : memref<40x128xi32, #tpu.memory_space<hbm>>) dst(%arg6 : memref<40x128xi32, #tpu.memory_space<vmem>>)
      tpu.yield
    }) : () -> ()
    %mul3A_7 = arith.constant 40 : i32
    %mul3A_8 = arith.muli %add3A, %mul3A_7 : i32
    "tpu.region"() ({
      %run_scoped3A = tpu.sem_alloc : memref<!tpu.dma_semaphore, #tpu.memory_space<semaphore_mem>>
      %dma_start3A = arith.constant 0 : i32
      %dma_start3A_19 = arith.constant 0 : i32
      %dma_start3A_20 = tpu.memref_slice %arg3[%mul3A_8, %dma_start3A, %dma_start3A_19] : memref<1280x128x16xf32, #tpu.memory_space<hbm>> -> memref<40x128x16xf32, #tpu.memory_space<hbm>>
      %dma_start3A_21 = arith.constant 0 : i32
      %dma_start3A_22 = arith.constant 0 : i32
      %dma_start3A_23 = tpu.memref_slice %arg3[%mul3A_8, %dma_start3A_21, %dma_start3A_22] : memref<1280x128x16xf32, #tpu.memory_space<hbm>> -> memref<40x128x16xf32, #tpu.memory_space<hbm>>
      tpu.enqueue_dma source(%dma_start3A_23 : memref<40x128x16xf32, #tpu.memory_space<hbm>>) target(%arg7 : memref<40x128x16xf32, #tpu.memory_space<vmem>>) target_semaphore(%run_scoped3A : memref<!tpu.dma_semaphore, #tpu.memory_space<semaphore_mem>>)
      %dma_wait3A = arith.constant 0 : i32
      %dma_wait3A_24 = arith.constant 0 : i32
      %dma_wait3A_25 = tpu.memref_slice %arg3[%mul3A_8, %dma_wait3A, %dma_wait3A_24] : memref<1280x128x16xf32, #tpu.memory_space<hbm>> -> memref<40x128x16xf32, #tpu.memory_space<hbm>>
      %dma_wait3A_26 = arith.constant 0 : i32
      %dma_wait3A_27 = arith.constant 0 : i32
      %dma_wait3A_28 = tpu.memref_slice %arg3[%mul3A_8, %dma_wait3A_26, %dma_wait3A_27] : memref<1280x128x16xf32, #tpu.memory_space<hbm>> -> memref<40x128x16xf32, #tpu.memory_space<hbm>>
      tpu.wait_dma2 semaphore(%run_scoped3A : memref<!tpu.dma_semaphore, #tpu.memory_space<semaphore_mem>>) src(%dma_wait3A_28 : memref<40x128x16xf32, #tpu.memory_space<hbm>>) dst(%arg7 : memref<40x128x16xf32, #tpu.memory_space<vmem>>)
      tpu.yield
    }) : () -> ()
    %barrier3A = arith.constant 0 : index
    tpu.barrier barrier_id(%barrier3A)
    %scan3A = arith.constant 0 : i32
    %scan3A_9 = arith.constant 0 : i32
    %scan3A_10 = arith.constant 40 : i32
    %scan3A_11 = arith.addi %scan3A_9, %scan3A_10 : i32
    %scan3A_12 = arith.constant 1 : i32
    scf.for %scan3A_19 = %scan3A_9 to %scan3A_11 step %scan3A_12  : i32 {
      "tpu.region"() ({
        %run_scoped3A = tpu.sem_alloc : memref<!tpu.dma_semaphore, #tpu.memory_space<semaphore_mem>>
        %dma_start3A = arith.constant 0 : i32
        %dma_start3A_20 = arith.constant 0 : i32
        %dma_start3A_21 = tpu.memref_slice %arg7[%scan3A_19, %dma_start3A, %dma_start3A_20] : memref<40x128x16xf32, #tpu.memory_space<vmem>> -> memref<1x128x16xf32, #tpu.memory_space<vmem>>
        %dma_start3A_22 = tpu.memref_squeeze %dma_start3A_21 : memref<1x128x16xf32, #tpu.memory_space<vmem>> -> memref<128x16xf32, #tpu.memory_space<vmem>>
        %dma_start3A_23 = arith.constant 0 : i32
        %dma_start3A_24 = tpu.memref_slice %arg6[%scan3A_19, %dma_start3A_23] : memref<40x128xi32, #tpu.memory_space<vmem>> -> memref<1x128xi32, #tpu.memory_space<vmem>>
        %dma_start3A_25 = tpu.memref_squeeze %dma_start3A_24 : memref<1x128xi32, #tpu.memory_space<vmem>> -> memref<128xi32, #tpu.memory_space<vmem>>
        %dma_start3A_26 = arith.constant 0 : i32
        %dma_start3A_27 = arith.constant 0 : i32
        %dma_start3A_28 = tpu.memref_slice %arg8[%dma_start3A_26, %dma_start3A_27] : memref<10240x16xf32, #tpu.memory_space<vmem_shared>> -> memref<10240x16xf32, #tpu.memory_space<vmem_shared>>
        tpu.enqueue_indirect_dma source(%dma_start3A_22 : memref<128x16xf32, #tpu.memory_space<vmem>>) target(%dma_start3A_28 : memref<10240x16xf32, #tpu.memory_space<vmem_shared>>) offsets(%dma_start3A_25 : memref<128xi32, #tpu.memory_space<vmem>>) semaphore(%run_scoped3A : memref<!tpu.dma_semaphore, #tpu.memory_space<semaphore_mem>>) {add = true}
        %dma_wait3A = arith.constant 0 : i32
        %dma_wait3A_29 = arith.constant 0 : i32
        %dma_wait3A_30 = tpu.memref_slice %arg7[%scan3A_19, %dma_wait3A, %dma_wait3A_29] : memref<40x128x16xf32, #tpu.memory_space<vmem>> -> memref<1x128x16xf32, #tpu.memory_space<vmem>>
        %dma_wait3A_31 = tpu.memref_squeeze %dma_wait3A_30 : memref<1x128x16xf32, #tpu.memory_space<vmem>> -> memref<128x16xf32, #tpu.memory_space<vmem>>
        %dma_wait3A_32 = arith.constant 0 : i32
        %dma_wait3A_33 = tpu.memref_slice %arg6[%scan3A_19, %dma_wait3A_32] : memref<40x128xi32, #tpu.memory_space<vmem>> -> memref<1x128xi32, #tpu.memory_space<vmem>>
        %dma_wait3A_34 = tpu.memref_squeeze %dma_wait3A_33 : memref<1x128xi32, #tpu.memory_space<vmem>> -> memref<128xi32, #tpu.memory_space<vmem>>
        %dma_wait3A_35 = arith.constant 0 : i32
        %dma_wait3A_36 = arith.constant 0 : i32
        %dma_wait3A_37 = tpu.memref_slice %arg8[%dma_wait3A_35, %dma_wait3A_36] : memref<10240x16xf32, #tpu.memory_space<vmem_shared>> -> memref<10240x16xf32, #tpu.memory_space<vmem_shared>>
        tpu.wait_indirect_dma semaphore(%run_scoped3A : memref<!tpu.dma_semaphore, #tpu.memory_space<semaphore_mem>>) src(%dma_wait3A_31 : memref<128x16xf32, #tpu.memory_space<vmem>>) dst(%dma_wait3A_37 : memref<10240x16xf32, #tpu.memory_space<vmem_shared>>)
        tpu.yield
      }) : () -> ()
    }
    %scan3A_13 = arith.constant 40 : i32
    %barrier3A_14 = arith.constant 0 : index
    tpu.barrier barrier_id(%barrier3A_14)
    %mul3A_15 = arith.constant 640 : i32
    %mul3A_16 = arith.muli %arg1, %mul3A_15 : i32
    %mul3A_17 = arith.constant 640 : i32
    %mul3A_18 = arith.muli %arg1, %mul3A_17 : i32
    "tpu.region"() ({
      %run_scoped3A = tpu.sem_alloc : memref<!tpu.dma_semaphore, #tpu.memory_space<semaphore_mem>>
      %dma_start3A = arith.constant 0 : i32
      %dma_start3A_19 = tpu.memref_slice %arg5[%arg0, %mul3A_18, %dma_start3A] : memref<2x10240x16xf32, #tpu.memory_space<hbm>> -> memref<1x640x16xf32, #tpu.memory_space<hbm>>
      %dma_start3A_20 = tpu.memref_squeeze %dma_start3A_19 : memref<1x640x16xf32, #tpu.memory_space<hbm>> -> memref<640x16xf32, #tpu.memory_space<hbm>>
      %dma_start3A_21 = arith.constant 0 : i32
      %dma_start3A_22 = tpu.memref_slice %arg8[%mul3A_16, %dma_start3A_21] : memref<10240x16xf32, #tpu.memory_space<vmem_shared>> -> memref<640x16xf32, #tpu.memory_space<vmem_shared>>
      tpu.enqueue_dma source(%dma_start3A_22 : memref<640x16xf32, #tpu.memory_space<vmem_shared>>) target(%dma_start3A_20 : memref<640x16xf32, #tpu.memory_space<hbm>>) target_semaphore(%run_scoped3A : memref<!tpu.dma_semaphore, #tpu.memory_space<semaphore_mem>>)
      %dma_wait3A = arith.constant 0 : i32
      %dma_wait3A_23 = tpu.memref_slice %arg5[%arg0, %mul3A_18, %dma_wait3A] : memref<2x10240x16xf32, #tpu.memory_space<hbm>> -> memref<1x640x16xf32, #tpu.memory_space<hbm>>
      %dma_wait3A_24 = tpu.memref_squeeze %dma_wait3A_23 : memref<1x640x16xf32, #tpu.memory_space<hbm>> -> memref<640x16xf32, #tpu.memory_space<hbm>>
      %dma_wait3A_25 = arith.constant 0 : i32
      %dma_wait3A_26 = tpu.memref_slice %arg8[%mul3A_16, %dma_wait3A_25] : memref<10240x16xf32, #tpu.memory_space<vmem_shared>> -> memref<640x16xf32, #tpu.memory_space<vmem_shared>>
      tpu.wait_dma2 semaphore(%run_scoped3A : memref<!tpu.dma_semaphore, #tpu.memory_space<semaphore_mem>>) src(%dma_wait3A_26 : memref<640x16xf32, #tpu.memory_space<vmem_shared>>) dst(%dma_wait3A_24 : memref<640x16xf32, #tpu.memory_space<hbm>>)
      tpu.yield
    }) : () -> ()
    return
  }
}

#map = affine_map<(d0, d1) -> (0, 0)>
#map1 = affine_map<(d0, d1) -> (0, 0, 0)>
module attributes {stable_mosaic.version = 14 : i64} {
  func.func @_sc_scatter_body(%arg0: i32, %arg1: i32, %arg2: memref<1280x128xi32, #tpu.memory_space<hbm>>, %arg3: memref<1280x128x16xf32, #tpu.memory_space<hbm>>, %arg4: memref<10240x16xf32, #tpu.memory_space<hbm>>, %arg5: memref<2x10240x16xf32, #tpu.memory_space<hbm>>, %arg6: memref<40x128xi32, #tpu.memory_space<vmem>>, %arg7: memref<40x128x16xf32, #tpu.memory_space<vmem>>, %arg8: memref<10240x16xf32, #tpu.memory_space<vmem_shared>>) attributes {dimension_semantics = [#tpu.dimension_semantics<core_parallel>, #tpu.dimension_semantics<subcore_parallel>], iteration_bounds = array<i64: 2, 16>, scalar_prefetch = 0 : i64, scratch_operands = 3 : i64, tpu.core_type = #tpu.core_type<sc_vector_subcore>, window_params = [{transform_indices = #map}, {transform_indices = #map1}, {transform_indices = #map}, {transform_indices = #map1}]} {
    %mul3A = arith.constant 2 : i32
    %mul3A_0 = arith.muli %arg1, %mul3A : i32
    %add3A = arith.addi %mul3A_0, %arg0 : i32
    %mul3A_1 = arith.constant 640 : i32
    %mul3A_2 = arith.muli %arg1, %mul3A_1 : i32
    %mul3A_3 = arith.constant 640 : i32
    %mul3A_4 = arith.muli %arg1, %mul3A_3 : i32
    "tpu.region"() ({
      %run_scoped3A = tpu.sem_alloc : memref<!tpu.dma_semaphore, #tpu.memory_space<semaphore_mem>>
      %dma_start3A = arith.constant 0 : i32
      %dma_start3A_19 = tpu.memref_slice %arg8[%mul3A_4, %dma_start3A] : memref<10240x16xf32, #tpu.memory_space<vmem_shared>> -> memref<640x16xf32, #tpu.memory_space<vmem_shared>>
      %dma_start3A_20 = arith.constant 0 : i32
      %dma_start3A_21 = tpu.memref_slice %arg4[%mul3A_2, %dma_start3A_20] : memref<10240x16xf32, #tpu.memory_space<hbm>> -> memref<640x16xf32, #tpu.memory_space<hbm>>
      tpu.enqueue_dma source(%dma_start3A_21 : memref<640x16xf32, #tpu.memory_space<hbm>>) target(%dma_start3A_19 : memref<640x16xf32, #tpu.memory_space<vmem_shared>>) target_semaphore(%run_scoped3A : memref<!tpu.dma_semaphore, #tpu.memory_space<semaphore_mem>>)
      %dma_wait3A = arith.constant 0 : i32
      %dma_wait3A_22 = tpu.memref_slice %arg8[%mul3A_4, %dma_wait3A] : memref<10240x16xf32, #tpu.memory_space<vmem_shared>> -> memref<640x16xf32, #tpu.memory_space<vmem_shared>>
      %dma_wait3A_23 = arith.constant 0 : i32
      %dma_wait3A_24 = tpu.memref_slice %arg4[%mul3A_2, %dma_wait3A_23] : memref<10240x16xf32, #tpu.memory_space<hbm>> -> memref<640x16xf32, #tpu.memory_space<hbm>>
      tpu.wait_dma2 semaphore(%run_scoped3A : memref<!tpu.dma_semaphore, #tpu.memory_space<semaphore_mem>>) src(%dma_wait3A_24 : memref<640x16xf32, #tpu.memory_space<hbm>>) dst(%dma_wait3A_22 : memref<640x16xf32, #tpu.memory_space<vmem_shared>>)
      tpu.yield
    }) : () -> ()
    %mul3A_5 = arith.constant 40 : i32
    %mul3A_6 = arith.muli %add3A, %mul3A_5 : i32
    "tpu.region"() ({
      %run_scoped3A = tpu.sem_alloc : memref<!tpu.dma_semaphore, #tpu.memory_space<semaphore_mem>>
      %dma_start3A = arith.constant 0 : i32
      %dma_start3A_19 = tpu.memref_slice %arg2[%mul3A_6, %dma_start3A] : memref<1280x128xi32, #tpu.memory_space<hbm>> -> memref<40x128xi32, #tpu.memory_space<hbm>>
      %dma_start3A_20 = arith.constant 0 : i32
      %dma_start3A_21 = tpu.memref_slice %arg2[%mul3A_6, %dma_start3A_20] : memref<1280x128xi32, #tpu.memory_space<hbm>> -> memref<40x128xi32, #tpu.memory_space<hbm>>
      tpu.enqueue_dma source(%dma_start3A_21 : memref<40x128xi32, #tpu.memory_space<hbm>>) target(%arg6 : memref<40x128xi32, #tpu.memory_space<vmem>>) target_semaphore(%run_scoped3A : memref<!tpu.dma_semaphore, #tpu.memory_space<semaphore_mem>>)
      %dma_wait3A = arith.constant 0 : i32
      %dma_wait3A_22 = tpu.memref_slice %arg2[%mul3A_6, %dma_wait3A] : memref<1280x128xi32, #tpu.memory_space<hbm>> -> memref<40x128xi32, #tpu.memory_space<hbm>>
      %dma_wait3A_23 = arith.constant 0 : i32
      %dma_wait3A_24 = tpu.memref_slice %arg2[%mul3A_6, %dma_wait3A_23] : memref<1280x128xi32, #tpu.memory_space<hbm>> -> memref<40x128xi32, #tpu.memory_space<hbm>>
      tpu.wait_dma2 semaphore(%run_scoped3A : memref<!tpu.dma_semaphore, #tpu.memory_space<semaphore_mem>>) src(%dma_wait3A_24 : memref<40x128xi32, #tpu.memory_space<hbm>>) dst(%arg6 : memref<40x128xi32, #tpu.memory_space<vmem>>)
      tpu.yield
    }) : () -> ()
    %mul3A_7 = arith.constant 40 : i32
    %mul3A_8 = arith.muli %add3A, %mul3A_7 : i32
    "tpu.region"() ({
      %run_scoped3A = tpu.sem_alloc : memref<!tpu.dma_semaphore, #tpu.memory_space<semaphore_mem>>
      %dma_start3A = arith.constant 0 : i32
      %dma_start3A_19 = arith.constant 0 : i32
      %dma_start3A_20 = tpu.memref_slice %arg3[%mul3A_8, %dma_start3A, %dma_start3A_19] : memref<1280x128x16xf32, #tpu.memory_space<hbm>> -> memref<40x128x16xf32, #tpu.memory_space<hbm>>
      %dma_start3A_21 = arith.constant 0 : i32
      %dma_start3A_22 = arith.constant 0 : i32
      %dma_start3A_23 = tpu.memref_slice %arg3[%mul3A_8, %dma_start3A_21, %dma_start3A_22] : memref<1280x128x16xf32, #tpu.memory_space<hbm>> -> memref<40x128x16xf32, #tpu.memory_space<hbm>>
      tpu.enqueue_dma source(%dma_start3A_23 : memref<40x128x16xf32, #tpu.memory_space<hbm>>) target(%arg7 : memref<40x128x16xf32, #tpu.memory_space<vmem>>) target_semaphore(%run_scoped3A : memref<!tpu.dma_semaphore, #tpu.memory_space<semaphore_mem>>)
      %dma_wait3A = arith.constant 0 : i32
      %dma_wait3A_24 = arith.constant 0 : i32
      %dma_wait3A_25 = tpu.memref_slice %arg3[%mul3A_8, %dma_wait3A, %dma_wait3A_24] : memref<1280x128x16xf32, #tpu.memory_space<hbm>> -> memref<40x128x16xf32, #tpu.memory_space<hbm>>
      %dma_wait3A_26 = arith.constant 0 : i32
      %dma_wait3A_27 = arith.constant 0 : i32
      %dma_wait3A_28 = tpu.memref_slice %arg3[%mul3A_8, %dma_wait3A_26, %dma_wait3A_27] : memref<1280x128x16xf32, #tpu.memory_space<hbm>> -> memref<40x128x16xf32, #tpu.memory_space<hbm>>
      tpu.wait_dma2 semaphore(%run_scoped3A : memref<!tpu.dma_semaphore, #tpu.memory_space<semaphore_mem>>) src(%dma_wait3A_28 : memref<40x128x16xf32, #tpu.memory_space<hbm>>) dst(%arg7 : memref<40x128x16xf32, #tpu.memory_space<vmem>>)
      tpu.yield
    }) : () -> ()
    %barrier3A = arith.constant 0 : index
    tpu.barrier barrier_id(%barrier3A)
    %scan3A = arith.constant 0 : i32
    %scan3A_9 = arith.constant 0 : i32
    %scan3A_10 = arith.constant 40 : i32
    %scan3A_11 = arith.addi %scan3A_9, %scan3A_10 : i32
    %scan3A_12 = arith.constant 1 : i32
    scf.for %scan3A_19 = %scan3A_9 to %scan3A_11 step %scan3A_12  : i32 {
      "tpu.region"() ({
        %run_scoped3A = tpu.sem_alloc : memref<!tpu.dma_semaphore, #tpu.memory_space<semaphore_mem>>
        %dma_start3A = arith.constant 0 : i32
        %dma_start3A_20 = arith.constant 0 : i32
        %dma_start3A_21 = tpu.memref_slice %arg7[%scan3A_19, %dma_start3A, %dma_start3A_20] : memref<40x128x16xf32, #tpu.memory_space<vmem>> -> memref<1x128x16xf32, #tpu.memory_space<vmem>>
        %dma_start3A_22 = tpu.memref_squeeze %dma_start3A_21 : memref<1x128x16xf32, #tpu.memory_space<vmem>> -> memref<128x16xf32, #tpu.memory_space<vmem>>
        %dma_start3A_23 = arith.constant 0 : i32
        %dma_start3A_24 = tpu.memref_slice %arg6[%scan3A_19, %dma_start3A_23] : memref<40x128xi32, #tpu.memory_space<vmem>> -> memref<1x128xi32, #tpu.memory_space<vmem>>
        %dma_start3A_25 = tpu.memref_squeeze %dma_start3A_24 : memref<1x128xi32, #tpu.memory_space<vmem>> -> memref<128xi32, #tpu.memory_space<vmem>>
        %dma_start3A_26 = arith.constant 0 : i32
        %dma_start3A_27 = arith.constant 0 : i32
        %dma_start3A_28 = tpu.memref_slice %arg8[%dma_start3A_26, %dma_start3A_27] : memref<10240x16xf32, #tpu.memory_space<vmem_shared>> -> memref<10240x16xf32, #tpu.memory_space<vmem_shared>>
        tpu.enqueue_indirect_dma source(%dma_start3A_22 : memref<128x16xf32, #tpu.memory_space<vmem>>) target(%dma_start3A_28 : memref<10240x16xf32, #tpu.memory_space<vmem_shared>>) offsets(%dma_start3A_25 : memref<128xi32, #tpu.memory_space<vmem>>) semaphore(%run_scoped3A : memref<!tpu.dma_semaphore, #tpu.memory_space<semaphore_mem>>) {add = true}
        %dma_wait3A = arith.constant 0 : i32
        %dma_wait3A_29 = arith.constant 0 : i32
        %dma_wait3A_30 = tpu.memref_slice %arg7[%scan3A_19, %dma_wait3A, %dma_wait3A_29] : memref<40x128x16xf32, #tpu.memory_space<vmem>> -> memref<1x128x16xf32, #tpu.memory_space<vmem>>
        %dma_wait3A_31 = tpu.memref_squeeze %dma_wait3A_30 : memref<1x128x16xf32, #tpu.memory_space<vmem>> -> memref<128x16xf32, #tpu.memory_space<vmem>>
        %dma_wait3A_32 = arith.constant 0 : i32
        %dma_wait3A_33 = tpu.memref_slice %arg6[%scan3A_19, %dma_wait3A_32] : memref<40x128xi32, #tpu.memory_space<vmem>> -> memref<1x128xi32, #tpu.memory_space<vmem>>
        %dma_wait3A_34 = tpu.memref_squeeze %dma_wait3A_33 : memref<1x128xi32, #tpu.memory_space<vmem>> -> memref<128xi32, #tpu.memory_space<vmem>>
        %dma_wait3A_35 = arith.constant 0 : i32
        %dma_wait3A_36 = arith.constant 0 : i32
        %dma_wait3A_37 = tpu.memref_slice %arg8[%dma_wait3A_35, %dma_wait3A_36] : memref<10240x16xf32, #tpu.memory_space<vmem_shared>> -> memref<10240x16xf32, #tpu.memory_space<vmem_shared>>
        tpu.wait_indirect_dma semaphore(%run_scoped3A : memref<!tpu.dma_semaphore, #tpu.memory_space<semaphore_mem>>) src(%dma_wait3A_31 : memref<128x16xf32, #tpu.memory_space<vmem>>) dst(%dma_wait3A_37 : memref<10240x16xf32, #tpu.memory_space<vmem_shared>>)
        tpu.yield
      }) : () -> ()
    }
    %scan3A_13 = arith.constant 40 : i32
    %barrier3A_14 = arith.constant 0 : index
    tpu.barrier barrier_id(%barrier3A_14)
    %mul3A_15 = arith.constant 640 : i32
    %mul3A_16 = arith.muli %arg1, %mul3A_15 : i32
    %mul3A_17 = arith.constant 640 : i32
    %mul3A_18 = arith.muli %arg1, %mul3A_17 : i32
    "tpu.region"() ({
      %run_scoped3A = tpu.sem_alloc : memref<!tpu.dma_semaphore, #tpu.memory_space<semaphore_mem>>
      %dma_start3A = arith.constant 0 : i32
      %dma_start3A_19 = tpu.memref_slice %arg5[%arg0, %mul3A_18, %dma_start3A] : memref<2x10240x16xf32, #tpu.memory_space<hbm>> -> memref<1x640x16xf32, #tpu.memory_space<hbm>>
      %dma_start3A_20 = tpu.memref_squeeze %dma_start3A_19 : memref<1x640x16xf32, #tpu.memory_space<hbm>> -> memref<640x16xf32, #tpu.memory_space<hbm>>
      %dma_start3A_21 = arith.constant 0 : i32
      %dma_start3A_22 = tpu.memref_slice %arg8[%mul3A_16, %dma_start3A_21] : memref<10240x16xf32, #tpu.memory_space<vmem_shared>> -> memref<640x16xf32, #tpu.memory_space<vmem_shared>>
      tpu.enqueue_dma source(%dma_start3A_22 : memref<640x16xf32, #tpu.memory_space<vmem_shared>>) target(%dma_start3A_20 : memref<640x16xf32, #tpu.memory_space<hbm>>) target_semaphore(%run_scoped3A : memref<!tpu.dma_semaphore, #tpu.memory_space<semaphore_mem>>)
      %dma_wait3A = arith.constant 0 : i32
      %dma_wait3A_23 = tpu.memref_slice %arg5[%arg0, %mul3A_18, %dma_wait3A] : memref<2x10240x16xf32, #tpu.memory_space<hbm>> -> memref<1x640x16xf32, #tpu.memory_space<hbm>>
      %dma_wait3A_24 = tpu.memref_squeeze %dma_wait3A_23 : memref<1x640x16xf32, #tpu.memory_space<hbm>> -> memref<640x16xf32, #tpu.memory_space<hbm>>
      %dma_wait3A_25 = arith.constant 0 : i32
      %dma_wait3A_26 = tpu.memref_slice %arg8[%mul3A_16, %dma_wait3A_25] : memref<10240x16xf32, #tpu.memory_space<vmem_shared>> -> memref<640x16xf32, #tpu.memory_space<vmem_shared>>
      tpu.wait_dma2 semaphore(%run_scoped3A : memref<!tpu.dma_semaphore, #tpu.memory_space<semaphore_mem>>) src(%dma_wait3A_26 : memref<640x16xf32, #tpu.memory_space<vmem_shared>>) dst(%dma_wait3A_24 : memref<640x16xf32, #tpu.memory_space<hbm>>)
      tpu.yield
    }) : () -> ()
    return
  }
}

#map = affine_map<(d0, d1) -> (0, 0)>
#map1 = affine_map<(d0, d1) -> (0, 0, 0)>
module attributes {stable_mosaic.version = 14 : i64} {
  func.func @_sc_gather_body(%arg0: i32, %arg1: i32, %arg2: memref<1280x128xi32, #tpu.memory_space<hbm>>, %arg3: memref<10240x16xf32, #tpu.memory_space<hbm>>, %arg4: memref<1280x128x16xf32, #tpu.memory_space<hbm>>, %arg5: memref<40x128xi32, #tpu.memory_space<vmem>>, %arg6: memref<40x128x16xf32, #tpu.memory_space<vmem>>, %arg7: memref<!tpu.dma_semaphore, #tpu.memory_space<semaphore_mem>>) attributes {dimension_semantics = [#tpu.dimension_semantics<core_parallel>, #tpu.dimension_semantics<subcore_parallel>], iteration_bounds = array<i64: 2, 16>, scalar_prefetch = 0 : i64, scratch_operands = 3 : i64, tpu.core_type = #tpu.core_type<sc_vector_subcore>, window_params = [{transform_indices = #map}, {transform_indices = #map}, {transform_indices = #map1}]} {
    %mul3A = arith.constant 2 : i32
    %mul3A_0 = arith.muli %arg1, %mul3A : i32
    %add3A = arith.addi %mul3A_0, %arg0 : i32
    %mul3A_1 = arith.constant 40 : i32
    %mul3A_2 = arith.muli %add3A, %mul3A_1 : i32
    "tpu.region"() ({
      %run_scoped3A = tpu.sem_alloc : memref<!tpu.dma_semaphore, #tpu.memory_space<semaphore_mem>>
      %dma_start3A = arith.constant 0 : i32
      %dma_start3A_16 = tpu.memref_slice %arg2[%mul3A_2, %dma_start3A] : memref<1280x128xi32, #tpu.memory_space<hbm>> -> memref<40x128xi32, #tpu.memory_space<hbm>>
      %dma_start3A_17 = arith.constant 0 : i32
      %dma_start3A_18 = tpu.memref_slice %arg2[%mul3A_2, %dma_start3A_17] : memref<1280x128xi32, #tpu.memory_space<hbm>> -> memref<40x128xi32, #tpu.memory_space<hbm>>
      tpu.enqueue_dma source(%dma_start3A_18 : memref<40x128xi32, #tpu.memory_space<hbm>>) target(%arg5 : memref<40x128xi32, #tpu.memory_space<vmem>>) target_semaphore(%run_scoped3A : memref<!tpu.dma_semaphore, #tpu.memory_space<semaphore_mem>>)
      %dma_wait3A = arith.constant 0 : i32
      %dma_wait3A_19 = tpu.memref_slice %arg2[%mul3A_2, %dma_wait3A] : memref<1280x128xi32, #tpu.memory_space<hbm>> -> memref<40x128xi32, #tpu.memory_space<hbm>>
      %dma_wait3A_20 = arith.constant 0 : i32
      %dma_wait3A_21 = tpu.memref_slice %arg2[%mul3A_2, %dma_wait3A_20] : memref<1280x128xi32, #tpu.memory_space<hbm>> -> memref<40x128xi32, #tpu.memory_space<hbm>>
      tpu.wait_dma2 semaphore(%run_scoped3A : memref<!tpu.dma_semaphore, #tpu.memory_space<semaphore_mem>>) src(%dma_wait3A_21 : memref<40x128xi32, #tpu.memory_space<hbm>>) dst(%arg5 : memref<40x128xi32, #tpu.memory_space<vmem>>)
      tpu.yield
    }) : () -> ()
    %scan3A = arith.constant 0 : i32
    %scan3A_3 = arith.constant 0 : i32
    %scan3A_4 = arith.constant 40 : i32
    %scan3A_5 = arith.addi %scan3A_3, %scan3A_4 : i32
    %scan3A_6 = arith.constant 1 : i32
    scf.for %scan3A_16 = %scan3A_3 to %scan3A_5 step %scan3A_6  : i32 {
      %dma_start3A = arith.constant 0 : i32
      %dma_start3A_17 = arith.constant 0 : i32
      %dma_start3A_18 = tpu.memref_slice %arg6[%scan3A_16, %dma_start3A, %dma_start3A_17] : memref<40x128x16xf32, #tpu.memory_space<vmem>> -> memref<1x128x16xf32, #tpu.memory_space<vmem>>
      %dma_start3A_19 = tpu.memref_squeeze %dma_start3A_18 : memref<1x128x16xf32, #tpu.memory_space<vmem>> -> memref<128x16xf32, #tpu.memory_space<vmem>>
      %dma_start3A_20 = arith.constant 0 : i32
      %dma_start3A_21 = tpu.memref_slice %arg5[%scan3A_16, %dma_start3A_20] : memref<40x128xi32, #tpu.memory_space<vmem>> -> memref<1x128xi32, #tpu.memory_space<vmem>>
      %dma_start3A_22 = tpu.memref_squeeze %dma_start3A_21 : memref<1x128xi32, #tpu.memory_space<vmem>> -> memref<128xi32, #tpu.memory_space<vmem>>
      %dma_start3A_23 = arith.constant 0 : i32
      %dma_start3A_24 = arith.constant 0 : i32
      %dma_start3A_25 = tpu.memref_slice %arg3[%dma_start3A_23, %dma_start3A_24] : memref<10240x16xf32, #tpu.memory_space<hbm>> -> memref<10240x16xf32, #tpu.memory_space<hbm>>
      tpu.enqueue_indirect_dma source(%dma_start3A_25 : memref<10240x16xf32, #tpu.memory_space<hbm>>) target(%dma_start3A_19 : memref<128x16xf32, #tpu.memory_space<vmem>>) offsets(%dma_start3A_22 : memref<128xi32, #tpu.memory_space<vmem>>) semaphore(%arg7 : memref<!tpu.dma_semaphore, #tpu.memory_space<semaphore_mem>>)
    }
    %scan3A_7 = arith.constant 40 : i32
    %scan3A_8 = arith.constant 0 : i32
    %scan3A_9 = arith.constant 0 : i32
    %scan3A_10 = arith.constant 40 : i32
    %scan3A_11 = arith.addi %scan3A_9, %scan3A_10 : i32
    %scan3A_12 = arith.constant 1 : i32
    scf.for %scan3A_16 = %scan3A_9 to %scan3A_11 step %scan3A_12  : i32 {
      %dma_wait3A = arith.constant 0 : i32
      %dma_wait3A_17 = arith.constant 0 : i32
      %dma_wait3A_18 = tpu.memref_slice %arg6[%scan3A_16, %dma_wait3A, %dma_wait3A_17] : memref<40x128x16xf32, #tpu.memory_space<vmem>> -> memref<1x128x16xf32, #tpu.memory_space<vmem>>
      %dma_wait3A_19 = tpu.memref_squeeze %dma_wait3A_18 : memref<1x128x16xf32, #tpu.memory_space<vmem>> -> memref<128x16xf32, #tpu.memory_space<vmem>>
      %dma_wait3A_20 = arith.constant 0 : i32
      %dma_wait3A_21 = tpu.memref_slice %arg5[%scan3A_16, %dma_wait3A_20] : memref<40x128xi32, #tpu.memory_space<vmem>> -> memref<1x128xi32, #tpu.memory_space<vmem>>
      %dma_wait3A_22 = tpu.memref_squeeze %dma_wait3A_21 : memref<1x128xi32, #tpu.memory_space<vmem>> -> memref<128xi32, #tpu.memory_space<vmem>>
      %dma_wait3A_23 = arith.constant 0 : i32
      %dma_wait3A_24 = arith.constant 0 : i32
      %dma_wait3A_25 = tpu.memref_slice %arg3[%dma_wait3A_23, %dma_wait3A_24] : memref<10240x16xf32, #tpu.memory_space<hbm>> -> memref<10240x16xf32, #tpu.memory_space<hbm>>
      tpu.wait_indirect_dma semaphore(%arg7 : memref<!tpu.dma_semaphore, #tpu.memory_space<semaphore_mem>>) src(%dma_wait3A_25 : memref<10240x16xf32, #tpu.memory_space<hbm>>) dst(%dma_wait3A_19 : memref<128x16xf32, #tpu.memory_space<vmem>>)
    }
    %scan3A_13 = arith.constant 40 : i32
    %mul3A_14 = arith.constant 40 : i32
    %mul3A_15 = arith.muli %add3A, %mul3A_14 : i32
    "tpu.region"() ({
      %run_scoped3A = tpu.sem_alloc : memref<!tpu.dma_semaphore, #tpu.memory_space<semaphore_mem>>
      %dma_start3A = arith.constant 0 : i32
      %dma_start3A_16 = arith.constant 0 : i32
      %dma_start3A_17 = tpu.memref_slice %arg4[%mul3A_15, %dma_start3A, %dma_start3A_16] : memref<1280x128x16xf32, #tpu.memory_space<hbm>> -> memref<40x128x16xf32, #tpu.memory_space<hbm>>
      %dma_start3A_18 = arith.constant 0 : i32
      %dma_start3A_19 = arith.constant 0 : i32
      %dma_start3A_20 = tpu.memref_slice %arg4[%mul3A_15, %dma_start3A_18, %dma_start3A_19] : memref<1280x128x16xf32, #tpu.memory_space<hbm>> -> memref<40x128x16xf32, #tpu.memory_space<hbm>>
      tpu.enqueue_dma source(%arg6 : memref<40x128x16xf32, #tpu.memory_space<vmem>>) target(%dma_start3A_20 : memref<40x128x16xf32, #tpu.memory_space<hbm>>) target_semaphore(%run_scoped3A : memref<!tpu.dma_semaphore, #tpu.memory_space<semaphore_mem>>)
      %dma_wait3A = arith.constant 0 : i32
      %dma_wait3A_21 = arith.constant 0 : i32
      %dma_wait3A_22 = tpu.memref_slice %arg4[%mul3A_15, %dma_wait3A, %dma_wait3A_21] : memref<1280x128x16xf32, #tpu.memory_space<hbm>> -> memref<40x128x16xf32, #tpu.memory_space<hbm>>
      %dma_wait3A_23 = arith.constant 0 : i32
      %dma_wait3A_24 = arith.constant 0 : i32
      %dma_wait3A_25 = tpu.memref_slice %arg4[%mul3A_15, %dma_wait3A_23, %dma_wait3A_24] : memref<1280x128x16xf32, #tpu.memory_space<hbm>> -> memref<40x128x16xf32, #tpu.memory_space<hbm>>
      tpu.wait_dma2 semaphore(%run_scoped3A : memref<!tpu.dma_semaphore, #tpu.memory_space<semaphore_mem>>) src(%arg6 : memref<40x128x16xf32, #tpu.memory_space<vmem>>) dst(%dma_wait3A_25 : memref<40x128x16xf32, #tpu.memory_space<hbm>>)
      tpu.yield
    }) : () -> ()
    return
  }
}

module attributes {stable_mosaic.version = 14 : i64} {
  func.func @_edge_mlp_body(%arg0: i32, %arg1: memref<16x2048xf32, #tpu.memory_space<vmem>>, %arg2: memref<16x2048xf32, #tpu.memory_space<vmem>>, %arg3: memref<256x16xf32, #tpu.memory_space<vmem>>, %arg4: memref<256x1xf32, #tpu.memory_space<vmem>>, %arg5: memref<256x256xf32, #tpu.memory_space<vmem>>, %arg6: memref<256x1xf32, #tpu.memory_space<vmem>>, %arg7: memref<16x2048xf32, #tpu.memory_space<vmem>>) attributes {dimension_semantics = [#tpu.dimension_semantics<arbitrary>], iteration_bounds = array<i64: 80>, scalar_prefetch = 0 : i64, scratch_operands = 0 : i64, tpu.core_type = #tpu.core_type<tc>, window_params = [{transform_indices = @transform_0, window_bounds = array<i64: 16, 2048>}, {transform_indices = @transform_1, window_bounds = array<i64: 16, 2048>}, {pipeline_mode = #tpu.pipeline_mode<synchronous>, transform_indices = @transform_2, window_bounds = array<i64: 256, 16>}, {pipeline_mode = #tpu.pipeline_mode<synchronous>, transform_indices = @transform_3, window_bounds = array<i64: 256, 1>}, {pipeline_mode = #tpu.pipeline_mode<synchronous>, transform_indices = @transform_4, window_bounds = array<i64: 256, 256>}, {pipeline_mode = #tpu.pipeline_mode<synchronous>, transform_indices = @transform_5, window_bounds = array<i64: 256, 1>}, {transform_indices = @transform_6, window_bounds = array<i64: 16, 2048>}]} {
    %get3A = arith.constant 0 : index
    %get3A_0 = arith.constant 0 : index
    %get3A_1 = vector.load %arg3[%get3A, %get3A_0] : memref<256x16xf32, #tpu.memory_space<vmem>>, vector<256x16xf32>
    %get3A_2 = arith.constant 0 : index
    %get3A_3 = arith.constant 0 : index
    %get3A_4 = vector.load %arg1[%get3A_2, %get3A_3] : memref<16x2048xf32, #tpu.memory_space<vmem>>, vector<16x2048xf32>
    %dot_general3A = arith.constant dense<0.000000e+00> : vector<256x2048xf32>
    %dot_general3A_5 = tpu.matmul %get3A_1, %get3A_4, %dot_general3A {dimension_numbers = #tpu.dot_dimension_numbers<[1], [0], [0], [1], [0, 0, 1, 1], [], []>, transpose_lhs_hint = false} : vector<256x16xf32>, vector<16x2048xf32>, vector<256x2048xf32> -> vector<256x2048xf32>
    %get3A_6 = arith.constant 0 : index
    %get3A_7 = arith.constant 0 : index
    %get3A_8 = vector.load %arg4[%get3A_6, %get3A_7] : memref<256x1xf32, #tpu.memory_space<vmem>>, vector<256x1xf32>
    %add3A = vector.broadcast %get3A_8 : vector<256x1xf32> to vector<256x2048xf32>
    %add3A_9 = arith.addf %dot_general3A_5, %add3A : vector<256x2048xf32>
    %ge3A = arith.constant 0.000000e+00 : f32
    %ge3A_10 = vector.broadcast %ge3A : f32 to vector<256x2048xf32>
    %ge3A_11 = arith.cmpf oge, %add3A_9, %ge3A_10 : vector<256x2048xf32>
    %mul3A = arith.constant 0.00999999977 : f32
    %mul3A_12 = vector.broadcast %mul3A : f32 to vector<256x2048xf32>
    %mul3A_13 = arith.mulf %mul3A_12, %add3A_9 : vector<256x2048xf32>
    %select_n3A = arith.select %ge3A_11, %add3A_9, %mul3A_13 : vector<256x2048xi1>, vector<256x2048xf32>
    %get3A_14 = arith.constant 0 : index
    %get3A_15 = arith.constant 0 : index
    %get3A_16 = vector.load %arg5[%get3A_14, %get3A_15] : memref<256x256xf32, #tpu.memory_space<vmem>>, vector<256x256xf32>
    %dot_general3A_17 = arith.constant dense<0.000000e+00> : vector<256x2048xf32>
    %dot_general3A_18 = tpu.matmul %get3A_16, %select_n3A, %dot_general3A_17 {dimension_numbers = #tpu.dot_dimension_numbers<[1], [0], [0], [1], [0, 0, 1, 1], [], []>, transpose_lhs_hint = false} : vector<256x256xf32>, vector<256x2048xf32>, vector<256x2048xf32> -> vector<256x2048xf32>
    %get3A_19 = arith.constant 0 : index
    %get3A_20 = arith.constant 0 : index
    %get3A_21 = vector.load %arg6[%get3A_19, %get3A_20] : memref<256x1xf32, #tpu.memory_space<vmem>>, vector<256x1xf32>
    %add3A_22 = vector.broadcast %get3A_21 : vector<256x1xf32> to vector<256x2048xf32>
    %add3A_23 = arith.addf %dot_general3A_18, %add3A_22 : vector<256x2048xf32>
    %reshape3A = vector.shape_cast %add3A_23 : vector<256x2048xf32> to vector<16x16x2048xf32>
    %get3A_24 = arith.constant 0 : index
    %get3A_25 = arith.constant 0 : index
    %get3A_26 = vector.load %arg2[%get3A_24, %get3A_25] : memref<16x2048xf32, #tpu.memory_space<vmem>>, vector<16x2048xf32>
    %broadcast_in_dim3A = vector.shape_cast %get3A_26 : vector<16x2048xf32> to vector<16x1x2048xf32>
    %mul3A_27 = vector.broadcast %broadcast_in_dim3A : vector<16x1x2048xf32> to vector<16x16x2048xf32>
    %mul3A_28 = arith.mulf %reshape3A, %mul3A_27 : vector<16x16x2048xf32>
    %reduce_sum3A = arith.constant dense<0.000000e+00> : vector<16x2048xf32>
    %reduce_sum3A_29 = vector.multi_reduction <add>, %mul3A_28, %reduce_sum3A [0] : vector<16x16x2048xf32> to vector<16x2048xf32>
    %swap3A = arith.constant 0 : index
    %swap3A_30 = arith.constant 0 : index
    %swap3A_31 = vector.load %arg7[%swap3A, %swap3A_30] : memref<16x2048xf32, #tpu.memory_space<vmem>>, vector<16x2048xf32>
    tpu.vector_store %arg7[%swap3A, %swap3A_30], %reduce_sum3A_29 {strides = array<i32>} : memref<16x2048xf32, #tpu.memory_space<vmem>>, vector<16x2048xf32>,
    return
  }
  func.func @transform_0(%arg0: i32) -> (i32, i32) {
    %c0_i32 = arith.constant 0 : i32
    %c0_i32_0 = arith.constant 0 : i32
    return %c0_i32, %arg0 : i32, i32
  }
  func.func @transform_1(%arg0: i32) -> (i32, i32) {
    %c0_i32 = arith.constant 0 : i32
    %c0_i32_0 = arith.constant 0 : i32
    return %c0_i32, %arg0 : i32, i32
  }
  func.func @transform_2(%arg0: i32) -> (i32, i32) {
    %c0_i32 = arith.constant 0 : i32
    %c0_i32_0 = arith.constant 0 : i32
    %c0_i32_1 = arith.constant 0 : i32
    return %c0_i32, %c0_i32_0 : i32, i32
  }
  func.func @transform_3(%arg0: i32) -> (i32, i32) {
    %c0_i32 = arith.constant 0 : i32
    %c0_i32_0 = arith.constant 0 : i32
    %c0_i32_1 = arith.constant 0 : i32
    return %c0_i32, %c0_i32_0 : i32, i32
  }
  func.func @transform_4(%arg0: i32) -> (i32, i32) {
    %c0_i32 = arith.constant 0 : i32
    %c0_i32_0 = arith.constant 0 : i32
    %c0_i32_1 = arith.constant 0 : i32
    return %c0_i32, %c0_i32_0 : i32, i32
  }
  func.func @transform_5(%arg0: i32) -> (i32, i32) {
    %c0_i32 = arith.constant 0 : i32
    %c0_i32_0 = arith.constant 0 : i32
    %c0_i32_1 = arith.constant 0 : i32
    return %c0_i32, %c0_i32_0 : i32, i32
  }
  func.func @transform_6(%arg0: i32) -> (i32, i32) {
    %c0_i32 = arith.constant 0 : i32
    %c0_i32_0 = arith.constant 0 : i32
    return %c0_i32, %arg0 : i32, i32
  }
}

module attributes {stable_mosaic.version = 14 : i64} {
  func.func @_aggr_body(%arg0: i32, %arg1: memref<2x2048x16xf32, #tpu.memory_space<vmem>>, %arg2: memref<2x2048x16xf32, #tpu.memory_space<vmem>>, %arg3: memref<2048x16xf32, #tpu.memory_space<vmem>>, %arg4: memref<16x16xf32, #tpu.memory_space<vmem>>, %arg5: memref<1x16xf32, #tpu.memory_space<vmem>>, %arg6: memref<2048x16xf32, #tpu.memory_space<vmem>>) attributes {dimension_semantics = [#tpu.dimension_semantics<arbitrary>], iteration_bounds = array<i64: 5>, scalar_prefetch = 0 : i64, scratch_operands = 0 : i64, tpu.core_type = #tpu.core_type<tc>, window_params = [{transform_indices = @transform_0, window_bounds = array<i64: 2, 2048, 16>}, {transform_indices = @transform_1, window_bounds = array<i64: 2, 2048, 16>}, {transform_indices = @transform_2, window_bounds = array<i64: 2048, 16>}, {pipeline_mode = #tpu.pipeline_mode<synchronous>, transform_indices = @transform_3, window_bounds = array<i64: 16, 16>}, {pipeline_mode = #tpu.pipeline_mode<synchronous>, transform_indices = @transform_4, window_bounds = array<i64: 1, 16>}, {transform_indices = @transform_5, window_bounds = array<i64: 2048, 16>}]} {
    %get3A = arith.constant 0 : index
    %get3A_0 = arith.constant 0 : index
    %get3A_1 = arith.constant 0 : index
    %get3A_2 = vector.load %arg1[%get3A, %get3A_0, %get3A_1] : memref<2x2048x16xf32, #tpu.memory_space<vmem>>, vector<2x2048x16xf32>
    %slice3A = vector.extract_strided_slice %get3A_2 {offsets = [0, 0, 0], sizes = [1, 2048, 16], strides = [1, 1, 1]} : vector<2x2048x16xf32> to vector<1x2048x16xf32>
    %squeeze3A = vector.shape_cast %slice3A : vector<1x2048x16xf32> to vector<2048x16xf32>
    %slice3A_3 = vector.extract_strided_slice %get3A_2 {offsets = [1, 0, 0], sizes = [1, 2048, 16], strides = [1, 1, 1]} : vector<2x2048x16xf32> to vector<1x2048x16xf32>
    %squeeze3A_4 = vector.shape_cast %slice3A_3 : vector<1x2048x16xf32> to vector<2048x16xf32>
    %add3A = arith.addf %squeeze3A, %squeeze3A_4 : vector<2048x16xf32>
    %get3A_5 = arith.constant 0 : index
    %get3A_6 = arith.constant 0 : index
    %get3A_7 = arith.constant 0 : index
    %get3A_8 = vector.load %arg2[%get3A_5, %get3A_6, %get3A_7] : memref<2x2048x16xf32, #tpu.memory_space<vmem>>, vector<2x2048x16xf32>
    %slice3A_9 = vector.extract_strided_slice %get3A_8 {offsets = [0, 0, 0], sizes = [1, 2048, 1], strides = [1, 1, 1]} : vector<2x2048x16xf32> to vector<1x2048x1xf32>
    %squeeze3A_10 = vector.shape_cast %slice3A_9 : vector<1x2048x1xf32> to vector<2048x1xf32>
    %slice3A_11 = vector.extract_strided_slice %get3A_8 {offsets = [1, 0, 0], sizes = [1, 2048, 1], strides = [1, 1, 1]} : vector<2x2048x16xf32> to vector<1x2048x1xf32>
    %squeeze3A_12 = vector.shape_cast %slice3A_11 : vector<1x2048x1xf32> to vector<2048x1xf32>
    %add3A_13 = arith.addf %squeeze3A_10, %squeeze3A_12 : vector<2048x1xf32>
    %max3A = arith.constant 1.000000e+00 : f32
    %max3A_14 = vector.broadcast %max3A : f32 to vector<2048x1xf32>
    %max3A_15 = arith.maximumf %add3A_13, %max3A_14 : vector<2048x1xf32>
    %div3A = vector.broadcast %max3A_15 : vector<2048x1xf32> to vector<2048x16xf32>
    %div3A_16 = arith.divf %add3A, %div3A : vector<2048x16xf32>
    %get3A_17 = arith.constant 0 : index
    %get3A_18 = arith.constant 0 : index
    %get3A_19 = vector.load %arg3[%get3A_17, %get3A_18] : memref<2048x16xf32, #tpu.memory_space<vmem>>, vector<2048x16xf32>
    %get3A_20 = arith.constant 0 : index
    %get3A_21 = arith.constant 0 : index
    %get3A_22 = vector.load %arg4[%get3A_20, %get3A_21] : memref<16x16xf32, #tpu.memory_space<vmem>>, vector<16x16xf32>
    %dot_general3A = arith.constant dense<0.000000e+00> : vector<2048x16xf32>
    %dot_general3A_23 = tpu.matmul %get3A_19, %get3A_22, %dot_general3A {dimension_numbers = #tpu.dot_dimension_numbers<[1], [0], [0], [1], [0, 0, 1, 1], [], []>, transpose_lhs_hint = false} : vector<2048x16xf32>, vector<16x16xf32>, vector<2048x16xf32> -> vector<2048x16xf32>
    %add3A_24 = arith.addf %div3A_16, %dot_general3A_23 : vector<2048x16xf32>
    %get3A_25 = arith.constant 0 : index
    %get3A_26 = arith.constant 0 : index
    %get3A_27 = vector.load %arg5[%get3A_25, %get3A_26] : memref<1x16xf32, #tpu.memory_space<vmem>>, vector<1x16xf32>
    %add3A_28 = vector.broadcast %get3A_27 : vector<1x16xf32> to vector<2048x16xf32>
    %add3A_29 = arith.addf %add3A_24, %add3A_28 : vector<2048x16xf32>
    %ge3A = arith.constant 0.000000e+00 : f32
    %ge3A_30 = vector.broadcast %ge3A : f32 to vector<2048x16xf32>
    %ge3A_31 = arith.cmpf oge, %add3A_29, %ge3A_30 : vector<2048x16xf32>
    %mul3A = arith.constant 0.00999999977 : f32
    %mul3A_32 = vector.broadcast %mul3A : f32 to vector<2048x16xf32>
    %mul3A_33 = arith.mulf %mul3A_32, %add3A_29 : vector<2048x16xf32>
    %select_n3A = arith.select %ge3A_31, %add3A_29, %mul3A_33 : vector<2048x16xi1>, vector<2048x16xf32>
    %swap3A = arith.constant 0 : index
    %swap3A_34 = arith.constant 0 : index
    %swap3A_35 = vector.load %arg6[%swap3A, %swap3A_34] : memref<2048x16xf32, #tpu.memory_space<vmem>>, vector<2048x16xf32>
    tpu.vector_store %arg6[%swap3A, %swap3A_34], %select_n3A {strides = array<i32>} : memref<2048x16xf32, #tpu.memory_space<vmem>>, vector<2048x16xf32>,
    return
  }
  func.func @transform_0(%arg0: i32) -> (i32, i32, i32) {
    %c0_i32 = arith.constant 0 : i32
    %c0_i32_0 = arith.constant 0 : i32
    %c0_i32_1 = arith.constant 0 : i32
    return %c0_i32, %arg0, %c0_i32_0 : i32, i32, i32
  }
  func.func @transform_1(%arg0: i32) -> (i32, i32, i32) {
    %c0_i32 = arith.constant 0 : i32
    %c0_i32_0 = arith.constant 0 : i32
    %c0_i32_1 = arith.constant 0 : i32
    return %c0_i32, %arg0, %c0_i32_0 : i32, i32, i32
  }
  func.func @transform_2(%arg0: i32) -> (i32, i32) {
    %c0_i32 = arith.constant 0 : i32
    %c0_i32_0 = arith.constant 0 : i32
    return %arg0, %c0_i32 : i32, i32
  }
  func.func @transform_3(%arg0: i32) -> (i32, i32) {
    %c0_i32 = arith.constant 0 : i32
    %c0_i32_0 = arith.constant 0 : i32
    %c0_i32_1 = arith.constant 0 : i32
    return %c0_i32, %c0_i32_0 : i32, i32
  }
  func.func @transform_4(%arg0: i32) -> (i32, i32) {
    %c0_i32 = arith.constant 0 : i32
    %c0_i32_0 = arith.constant 0 : i32
    %c0_i32_1 = arith.constant 0 : i32
    return %c0_i32, %c0_i32_0 : i32, i32
  }
  func.func @transform_5(%arg0: i32) -> (i32, i32) {
    %c0_i32 = arith.constant 0 : i32
    %c0_i32_0 = arith.constant 0 : i32
    return %arg0, %c0_i32 : i32, i32
  }
}

module attributes {stable_mosaic.version = 14 : i64} {
  func.func @_aggr_body(%arg0: i32, %arg1: memref<2x2048x16xf32, #tpu.memory_space<vmem>>, %arg2: memref<2x2048x16xf32, #tpu.memory_space<vmem>>, %arg3: memref<2048x16xf32, #tpu.memory_space<vmem>>, %arg4: memref<16x16xf32, #tpu.memory_space<vmem>>, %arg5: memref<1x16xf32, #tpu.memory_space<vmem>>, %arg6: memref<2048x16xf32, #tpu.memory_space<vmem>>) attributes {dimension_semantics = [#tpu.dimension_semantics<arbitrary>], iteration_bounds = array<i64: 5>, scalar_prefetch = 0 : i64, scratch_operands = 0 : i64, tpu.core_type = #tpu.core_type<tc>, window_params = [{transform_indices = @transform_0, window_bounds = array<i64: 2, 2048, 16>}, {transform_indices = @transform_1, window_bounds = array<i64: 2, 2048, 16>}, {transform_indices = @transform_2, window_bounds = array<i64: 2048, 16>}, {pipeline_mode = #tpu.pipeline_mode<synchronous>, transform_indices = @transform_3, window_bounds = array<i64: 16, 16>}, {pipeline_mode = #tpu.pipeline_mode<synchronous>, transform_indices = @transform_4, window_bounds = array<i64: 1, 16>}, {transform_indices = @transform_5, window_bounds = array<i64: 2048, 16>}]} {
    %get3A = arith.constant 0 : index
    %get3A_0 = arith.constant 0 : index
    %get3A_1 = arith.constant 0 : index
    %get3A_2 = vector.load %arg1[%get3A, %get3A_0, %get3A_1] : memref<2x2048x16xf32, #tpu.memory_space<vmem>>, vector<2x2048x16xf32>
    %slice3A = vector.extract_strided_slice %get3A_2 {offsets = [0, 0, 0], sizes = [1, 2048, 16], strides = [1, 1, 1]} : vector<2x2048x16xf32> to vector<1x2048x16xf32>
    %squeeze3A = vector.shape_cast %slice3A : vector<1x2048x16xf32> to vector<2048x16xf32>
    %slice3A_3 = vector.extract_strided_slice %get3A_2 {offsets = [1, 0, 0], sizes = [1, 2048, 16], strides = [1, 1, 1]} : vector<2x2048x16xf32> to vector<1x2048x16xf32>
    %squeeze3A_4 = vector.shape_cast %slice3A_3 : vector<1x2048x16xf32> to vector<2048x16xf32>
    %add3A = arith.addf %squeeze3A, %squeeze3A_4 : vector<2048x16xf32>
    %get3A_5 = arith.constant 0 : index
    %get3A_6 = arith.constant 0 : index
    %get3A_7 = arith.constant 0 : index
    %get3A_8 = vector.load %arg2[%get3A_5, %get3A_6, %get3A_7] : memref<2x2048x16xf32, #tpu.memory_space<vmem>>, vector<2x2048x16xf32>
    %slice3A_9 = vector.extract_strided_slice %get3A_8 {offsets = [0, 0, 0], sizes = [1, 2048, 1], strides = [1, 1, 1]} : vector<2x2048x16xf32> to vector<1x2048x1xf32>
    %squeeze3A_10 = vector.shape_cast %slice3A_9 : vector<1x2048x1xf32> to vector<2048x1xf32>
    %slice3A_11 = vector.extract_strided_slice %get3A_8 {offsets = [1, 0, 0], sizes = [1, 2048, 1], strides = [1, 1, 1]} : vector<2x2048x16xf32> to vector<1x2048x1xf32>
    %squeeze3A_12 = vector.shape_cast %slice3A_11 : vector<1x2048x1xf32> to vector<2048x1xf32>
    %add3A_13 = arith.addf %squeeze3A_10, %squeeze3A_12 : vector<2048x1xf32>
    %max3A = arith.constant 1.000000e+00 : f32
    %max3A_14 = vector.broadcast %max3A : f32 to vector<2048x1xf32>
    %max3A_15 = arith.maximumf %add3A_13, %max3A_14 : vector<2048x1xf32>
    %div3A = vector.broadcast %max3A_15 : vector<2048x1xf32> to vector<2048x16xf32>
    %div3A_16 = arith.divf %add3A, %div3A : vector<2048x16xf32>
    %get3A_17 = arith.constant 0 : index
    %get3A_18 = arith.constant 0 : index
    %get3A_19 = vector.load %arg3[%get3A_17, %get3A_18] : memref<2048x16xf32, #tpu.memory_space<vmem>>, vector<2048x16xf32>
    %get3A_20 = arith.constant 0 : index
    %get3A_21 = arith.constant 0 : index
    %get3A_22 = vector.load %arg4[%get3A_20, %get3A_21] : memref<16x16xf32, #tpu.memory_space<vmem>>, vector<16x16xf32>
    %dot_general3A = arith.constant dense<0.000000e+00> : vector<2048x16xf32>
    %dot_general3A_23 = tpu.matmul %get3A_19, %get3A_22, %dot_general3A {dimension_numbers = #tpu.dot_dimension_numbers<[1], [0], [0], [1], [0, 0, 1, 1], [], []>, transpose_lhs_hint = false} : vector<2048x16xf32>, vector<16x16xf32>, vector<2048x16xf32> -> vector<2048x16xf32>
    %add3A_24 = arith.addf %div3A_16, %dot_general3A_23 : vector<2048x16xf32>
    %get3A_25 = arith.constant 0 : index
    %get3A_26 = arith.constant 0 : index
    %get3A_27 = vector.load %arg5[%get3A_25, %get3A_26] : memref<1x16xf32, #tpu.memory_space<vmem>>, vector<1x16xf32>
    %add3A_28 = vector.broadcast %get3A_27 : vector<1x16xf32> to vector<2048x16xf32>
    %add3A_29 = arith.addf %add3A_24, %add3A_28 : vector<2048x16xf32>
    %swap3A = arith.constant 0 : index
    %swap3A_30 = arith.constant 0 : index
    %swap3A_31 = vector.load %arg6[%swap3A, %swap3A_30] : memref<2048x16xf32, #tpu.memory_space<vmem>>, vector<2048x16xf32>
    tpu.vector_store %arg6[%swap3A, %swap3A_30], %add3A_29 {strides = array<i32>} : memref<2048x16xf32, #tpu.memory_space<vmem>>, vector<2048x16xf32>,
    return
  }
  func.func @transform_0(%arg0: i32) -> (i32, i32, i32) {
    %c0_i32 = arith.constant 0 : i32
    %c0_i32_0 = arith.constant 0 : i32
    %c0_i32_1 = arith.constant 0 : i32
    return %c0_i32, %arg0, %c0_i32_0 : i32, i32, i32
  }
  func.func @transform_1(%arg0: i32) -> (i32, i32, i32) {
    %c0_i32 = arith.constant 0 : i32
    %c0_i32_0 = arith.constant 0 : i32
    %c0_i32_1 = arith.constant 0 : i32
    return %c0_i32, %arg0, %c0_i32_0 : i32, i32, i32
  }
  func.func @transform_2(%arg0: i32) -> (i32, i32) {
    %c0_i32 = arith.constant 0 : i32
    %c0_i32_0 = arith.constant 0 : i32
    return %arg0, %c0_i32 : i32, i32
  }
  func.func @transform_3(%arg0: i32) -> (i32, i32) {
    %c0_i32 = arith.constant 0 : i32
    %c0_i32_0 = arith.constant 0 : i32
    %c0_i32_1 = arith.constant 0 : i32
    return %c0_i32, %c0_i32_0 : i32, i32
  }
  func.func @transform_4(%arg0: i32) -> (i32, i32) {
    %c0_i32 = arith.constant 0 : i32
    %c0_i32_0 = arith.constant 0 : i32
    %c0_i32_1 = arith.constant 0 : i32
    return %c0_i32, %c0_i32_0 : i32, i32
  }
  func.func @transform_5(%arg0: i32) -> (i32, i32) {
    %c0_i32 = arith.constant 0 : i32
    %c0_i32_0 = arith.constant 0 : i32
    return %arg0, %c0_i32 : i32, i32
  }
}

module attributes {stable_mosaic.version = 14 : i64} {
  func.func @_pool_body(%arg0: i32, %arg1: memref<2048x16xf32, #tpu.memory_space<vmem>>, %arg2: memref<2048x1xf32, #tpu.memory_space<vmem>>, %arg3: memref<2048x1xi32, #tpu.memory_space<vmem>>, %arg4: memref<64x1xf32, #tpu.memory_space<vmem>>, %arg5: memref<64x1xf32, #tpu.memory_space<vmem>>, %arg6: memref<16x128xf32, #tpu.memory_space<vmem>>, %arg7: memref<1x128xf32, #tpu.memory_space<vmem>>, %arg8: memref<1x128xf32, #tpu.memory_space<vmem>>, %arg9: memref<1x128xf32, #tpu.memory_space<vmem>>, %arg10: memref<128x128xf32, #tpu.memory_space<vmem>>, %arg11: memref<1x128xf32, #tpu.memory_space<vmem>>, %arg12: memref<128x1xf32, #tpu.memory_space<vmem>>, %arg13: memref<1x1xf32, #tpu.memory_space<vmem>>, %arg14: memref<64x1xf32, #tpu.memory_space<vmem>>, %arg15: memref<64x16xf32, #tpu.memory_space<vmem>>, %arg16: memref<64x1xf32, #tpu.memory_space<vmem>>) attributes {dimension_semantics = [#tpu.dimension_semantics<arbitrary>], iteration_bounds = array<i64: 5>, scalar_prefetch = 0 : i64, scratch_operands = 2 : i64, tpu.core_type = #tpu.core_type<tc>, window_params = [{transform_indices = @transform_0, window_bounds = array<i64: 2048, 16>}, {transform_indices = @transform_1, window_bounds = array<i64: 2048, 1>}, {transform_indices = @transform_2, window_bounds = array<i64: 2048, 1>}, {pipeline_mode = #tpu.pipeline_mode<synchronous>, transform_indices = @transform_3, window_bounds = array<i64: 64, 1>}, {pipeline_mode = #tpu.pipeline_mode<synchronous>, transform_indices = @transform_4, window_bounds = array<i64: 64, 1>}, {pipeline_mode = #tpu.pipeline_mode<synchronous>, transform_indices = @transform_5, window_bounds = array<i64: 16, 128>}, {pipeline_mode = #tpu.pipeline_mode<synchronous>, transform_indices = @transform_6, window_bounds = array<i64: 1, 128>}, {pipeline_mode = #tpu.pipeline_mode<synchronous>, transform_indices = @transform_7, window_bounds = array<i64: 1, 128>}, {pipeline_mode = #tpu.pipeline_mode<synchronous>, transform_indices = @transform_8, window_bounds = array<i64: 1, 128>}, {pipeline_mode = #tpu.pipeline_mode<synchronous>, transform_indices = @transform_9, window_bounds = array<i64: 128, 128>}, {pipeline_mode = #tpu.pipeline_mode<synchronous>, transform_indices = @transform_10, window_bounds = array<i64: 1, 128>}, {pipeline_mode = #tpu.pipeline_mode<synchronous>, transform_indices = @transform_11, window_bounds = array<i64: 128, 1>}, {pipeline_mode = #tpu.pipeline_mode<synchronous>, transform_indices = @transform_12, window_bounds = array<i64: 1, 1>}, {pipeline_mode = #tpu.pipeline_mode<synchronous>, transform_indices = @transform_13, window_bounds = array<i64: 64, 1>}]} {
    %eq3A = arith.constant 0 : i32
    %eq3A_0 = arith.cmpi eq, %arg0, %eq3A : i32
    %convert_element_type3A = arith.extui %eq3A_0 : i1 to i32
    %cond3A = arith.constant 0 : i32
    %cond3A_1 = arith.cmpi ne, %convert_element_type3A, %cond3A : i32
    scf.if %cond3A_1 {
      %broadcast_in_dim3A = arith.constant 0.000000e+00 : f32
      %broadcast_in_dim3A_35 = vector.broadcast %broadcast_in_dim3A : f32 to vector<64x16xf32>
      %swap3A_36 = arith.constant 0 : index
      %swap3A_37 = arith.constant 0 : index
      %swap3A_38 = vector.load %arg15[%swap3A_36, %swap3A_37] : memref<64x16xf32, #tpu.memory_space<vmem>>, vector<64x16xf32>
      tpu.vector_store %arg15[%swap3A_36, %swap3A_37], %broadcast_in_dim3A_35 {strides = array<i32>} : memref<64x16xf32, #tpu.memory_space<vmem>>, vector<64x16xf32>,
      %broadcast_in_dim3A_39 = arith.constant 0.000000e+00 : f32
      %broadcast_in_dim3A_40 = vector.broadcast %broadcast_in_dim3A_39 : f32 to vector<64x1xf32>
      %swap3A_41 = arith.constant 0 : index
      %swap3A_42 = arith.constant 0 : index
      %swap3A_43 = vector.load %arg16[%swap3A_41, %swap3A_42] : memref<64x1xf32, #tpu.memory_space<vmem>>, vector<64x1xf32>
      tpu.vector_store %arg16[%swap3A_41, %swap3A_42], %broadcast_in_dim3A_40 {strides = array<i32>} : memref<64x1xf32, #tpu.memory_space<vmem>>, vector<64x1xf32>,
    } else {
    }
    %get3A = arith.constant 0 : index
    %get3A_2 = arith.constant 0 : index
    %get3A_3 = vector.load %arg3[%get3A, %get3A_2] : memref<2048x1xi32, #tpu.memory_space<vmem>>, vector<2048x1xi32>
    %iota3A = tpu.iota {dimensions = array<i32: 1>} : vector<2048x64xi32>
    %eq3A_4 = vector.broadcast %get3A_3 : vector<2048x1xi32> to vector<2048x64xi32>
    %eq3A_5 = arith.cmpi eq, %eq3A_4, %iota3A : vector<2048x64xi32>
    %convert_element_type3A_6 = arith.extui %eq3A_5 : vector<2048x64xi1> to vector<2048x64xi32>
    %convert_element_type3A_7 = arith.sitofp %convert_element_type3A_6 : vector<2048x64xi32> to vector<2048x64xf32>
    %get3A_8 = arith.constant 0 : index
    %get3A_9 = arith.constant 0 : index
    %get3A_10 = vector.load %arg2[%get3A_8, %get3A_9] : memref<2048x1xf32, #tpu.memory_space<vmem>>, vector<2048x1xf32>
    %get3A_11 = arith.constant 0 : index
    %get3A_12 = arith.constant 0 : index
    %get3A_13 = vector.load %arg1[%get3A_11, %get3A_12] : memref<2048x16xf32, #tpu.memory_space<vmem>>, vector<2048x16xf32>
    %mul3A = vector.broadcast %get3A_10 : vector<2048x1xf32> to vector<2048x16xf32>
    %mul3A_14 = arith.mulf %get3A_13, %mul3A : vector<2048x16xf32>
    %get3A_15 = arith.constant 0 : index
    %get3A_16 = arith.constant 0 : index
    %get3A_17 = vector.load %arg15[%get3A_15, %get3A_16] : memref<64x16xf32, #tpu.memory_space<vmem>>, vector<64x16xf32>
    %dot_general3A = arith.constant dense<0.000000e+00> : vector<64x16xf32>
    %dot_general3A_18 = tpu.matmul %convert_element_type3A_7, %mul3A_14, %dot_general3A {dimension_numbers = #tpu.dot_dimension_numbers<[0], [0], [1], [1], [0, 1, 1, 1], [], []>, precision = #tpu.contract_precision<fp32>, transpose_lhs_hint = false} : vector<2048x64xf32>, vector<2048x16xf32>, vector<64x16xf32> -> vector<64x16xf32>
    %add3A = arith.addf %get3A_17, %dot_general3A_18 : vector<64x16xf32>
    %swap3A = arith.constant 0 : index
    %swap3A_19 = arith.constant 0 : index
    %swap3A_20 = vector.load %arg15[%swap3A, %swap3A_19] : memref<64x16xf32, #tpu.memory_space<vmem>>, vector<64x16xf32>
    tpu.vector_store %arg15[%swap3A, %swap3A_19], %add3A {strides = array<i32>} : memref<64x16xf32, #tpu.memory_space<vmem>>, vector<64x16xf32>,
    %get3A_21 = arith.constant 0 : index
    %get3A_22 = arith.constant 0 : index
    %get3A_23 = vector.load %arg16[%get3A_21, %get3A_22] : memref<64x1xf32, #tpu.memory_space<vmem>>, vector<64x1xf32>
    %dot_general3A_24 = arith.constant dense<0.000000e+00> : vector<64x1xf32>
    %dot_general3A_25 = tpu.matmul %convert_element_type3A_7, %get3A_10, %dot_general3A_24 {dimension_numbers = #tpu.dot_dimension_numbers<[0], [0], [1], [1], [0, 1, 1, 1], [], []>, precision = #tpu.contract_precision<fp32>, transpose_lhs_hint = false} : vector<2048x64xf32>, vector<2048x1xf32>, vector<64x1xf32> -> vector<64x1xf32>
    %add3A_26 = arith.addf %get3A_23, %dot_general3A_25 : vector<64x1xf32>
    %swap3A_27 = arith.constant 0 : index
    %swap3A_28 = arith.constant 0 : index
    %swap3A_29 = vector.load %arg16[%swap3A_27, %swap3A_28] : memref<64x1xf32, #tpu.memory_space<vmem>>, vector<64x1xf32>
    tpu.vector_store %arg16[%swap3A_27, %swap3A_28], %add3A_26 {strides = array<i32>} : memref<64x1xf32, #tpu.memory_space<vmem>>, vector<64x1xf32>,
    %eq3A_30 = arith.constant 4 : i32
    %eq3A_31 = arith.cmpi eq, %arg0, %eq3A_30 : i32
    %convert_element_type3A_32 = arith.extui %eq3A_31 : i1 to i32
    %cond3A_33 = arith.constant 0 : i32
    %cond3A_34 = arith.cmpi ne, %convert_element_type3A_32, %cond3A_33 : i32
    scf.if %cond3A_34 {
      %get3A_35 = arith.constant 0 : index
      %get3A_36 = arith.constant 0 : index
      %get3A_37 = vector.load %arg15[%get3A_35, %get3A_36] : memref<64x16xf32, #tpu.memory_space<vmem>>, vector<64x16xf32>
      %get3A_38 = arith.constant 0 : index
      %get3A_39 = arith.constant 0 : index
      %get3A_40 = vector.load %arg16[%get3A_38, %get3A_39] : memref<64x1xf32, #tpu.memory_space<vmem>>, vector<64x1xf32>
      %max3A = arith.constant 1.000000e+00 : f32
      %max3A_41 = vector.broadcast %max3A : f32 to vector<64x1xf32>
      %max3A_42 = arith.maximumf %get3A_40, %max3A_41 : vector<64x1xf32>
      %div3A = vector.broadcast %max3A_42 : vector<64x1xf32> to vector<64x16xf32>
      %div3A_43 = arith.divf %get3A_37, %div3A : vector<64x16xf32>
      %get3A_44 = arith.constant 0 : index
      %get3A_45 = arith.constant 0 : index
      %get3A_46 = vector.load %arg6[%get3A_44, %get3A_45] : memref<16x128xf32, #tpu.memory_space<vmem>>, vector<16x128xf32>
      %dot_general3A_47 = arith.constant dense<0.000000e+00> : vector<64x128xf32>
      %dot_general3A_48 = tpu.matmul %div3A_43, %get3A_46, %dot_general3A_47 {dimension_numbers = #tpu.dot_dimension_numbers<[1], [0], [0], [1], [0, 0, 1, 1], [], []>, transpose_lhs_hint = false} : vector<64x16xf32>, vector<16x128xf32>, vector<64x128xf32> -> vector<64x128xf32>
      %get3A_49 = arith.constant 0 : index
      %get3A_50 = arith.constant 0 : index
      %get3A_51 = vector.load %arg4[%get3A_49, %get3A_50] : memref<64x1xf32, #tpu.memory_space<vmem>>, vector<64x1xf32>
      %get3A_52 = arith.constant 0 : index
      %get3A_53 = arith.constant 0 : index
      %get3A_54 = vector.load %arg7[%get3A_52, %get3A_53] : memref<1x128xf32, #tpu.memory_space<vmem>>, vector<1x128xf32>
      %mul3A_55 = vector.broadcast %get3A_51 : vector<64x1xf32> to vector<64x128xf32>
      %mul3A_56 = vector.broadcast %get3A_54 : vector<1x128xf32> to vector<64x128xf32>
      %mul3A_57 = arith.mulf %mul3A_55, %mul3A_56 : vector<64x128xf32>
      %add3A_58 = arith.addf %dot_general3A_48, %mul3A_57 : vector<64x128xf32>
      %get3A_59 = arith.constant 0 : index
      %get3A_60 = arith.constant 0 : index
      %get3A_61 = vector.load %arg5[%get3A_59, %get3A_60] : memref<64x1xf32, #tpu.memory_space<vmem>>, vector<64x1xf32>
      %get3A_62 = arith.constant 0 : index
      %get3A_63 = arith.constant 0 : index
      %get3A_64 = vector.load %arg8[%get3A_62, %get3A_63] : memref<1x128xf32, #tpu.memory_space<vmem>>, vector<1x128xf32>
      %mul3A_65 = vector.broadcast %get3A_61 : vector<64x1xf32> to vector<64x128xf32>
      %mul3A_66 = vector.broadcast %get3A_64 : vector<1x128xf32> to vector<64x128xf32>
      %mul3A_67 = arith.mulf %mul3A_65, %mul3A_66 : vector<64x128xf32>
      %add3A_68 = arith.addf %add3A_58, %mul3A_67 : vector<64x128xf32>
      %get3A_69 = arith.constant 0 : index
      %get3A_70 = arith.constant 0 : index
      %get3A_71 = vector.load %arg9[%get3A_69, %get3A_70] : memref<1x128xf32, #tpu.memory_space<vmem>>, vector<1x128xf32>
      %add3A_72 = vector.broadcast %get3A_71 : vector<1x128xf32> to vector<64x128xf32>
      %add3A_73 = arith.addf %add3A_68, %add3A_72 : vector<64x128xf32>
      %ge3A = arith.constant 0.000000e+00 : f32
      %ge3A_74 = vector.broadcast %ge3A : f32 to vector<64x128xf32>
      %ge3A_75 = arith.cmpf oge, %add3A_73, %ge3A_74 : vector<64x128xf32>
      %mul3A_76 = arith.constant 0.00999999977 : f32
      %mul3A_77 = vector.broadcast %mul3A_76 : f32 to vector<64x128xf32>
      %mul3A_78 = arith.mulf %mul3A_77, %add3A_73 : vector<64x128xf32>
      %select_n3A = arith.select %ge3A_75, %add3A_73, %mul3A_78 : vector<64x128xi1>, vector<64x128xf32>
      %get3A_79 = arith.constant 0 : index
      %get3A_80 = arith.constant 0 : index
      %get3A_81 = vector.load %arg10[%get3A_79, %get3A_80] : memref<128x128xf32, #tpu.memory_space<vmem>>, vector<128x128xf32>
      %dot_general3A_82 = arith.constant dense<0.000000e+00> : vector<64x128xf32>
      %dot_general3A_83 = tpu.matmul %select_n3A, %get3A_81, %dot_general3A_82 {dimension_numbers = #tpu.dot_dimension_numbers<[1], [0], [0], [1], [0, 0, 1, 1], [], []>, transpose_lhs_hint = false} : vector<64x128xf32>, vector<128x128xf32>, vector<64x128xf32> -> vector<64x128xf32>
      %get3A_84 = arith.constant 0 : index
      %get3A_85 = arith.constant 0 : index
      %get3A_86 = vector.load %arg11[%get3A_84, %get3A_85] : memref<1x128xf32, #tpu.memory_space<vmem>>, vector<1x128xf32>
      %add3A_87 = vector.broadcast %get3A_86 : vector<1x128xf32> to vector<64x128xf32>
      %add3A_88 = arith.addf %dot_general3A_83, %add3A_87 : vector<64x128xf32>
      %ge3A_89 = arith.constant 0.000000e+00 : f32
      %ge3A_90 = vector.broadcast %ge3A_89 : f32 to vector<64x128xf32>
      %ge3A_91 = arith.cmpf oge, %add3A_88, %ge3A_90 : vector<64x128xf32>
      %mul3A_92 = arith.constant 0.00999999977 : f32
      %mul3A_93 = vector.broadcast %mul3A_92 : f32 to vector<64x128xf32>
      %mul3A_94 = arith.mulf %mul3A_93, %add3A_88 : vector<64x128xf32>
      %select_n3A_95 = arith.select %ge3A_91, %add3A_88, %mul3A_94 : vector<64x128xi1>, vector<64x128xf32>
      %get3A_96 = arith.constant 0 : index
      %get3A_97 = arith.constant 0 : index
      %get3A_98 = vector.load %arg12[%get3A_96, %get3A_97] : memref<128x1xf32, #tpu.memory_space<vmem>>, vector<128x1xf32>
      %dot_general3A_99 = arith.constant dense<0.000000e+00> : vector<64x1xf32>
      %dot_general3A_100 = tpu.matmul %select_n3A_95, %get3A_98, %dot_general3A_99 {dimension_numbers = #tpu.dot_dimension_numbers<[1], [0], [0], [1], [0, 0, 1, 1], [], []>, transpose_lhs_hint = false} : vector<64x128xf32>, vector<128x1xf32>, vector<64x1xf32> -> vector<64x1xf32>
      %get3A_101 = arith.constant 0 : index
      %get3A_102 = arith.constant 0 : index
      %get3A_103 = vector.load %arg13[%get3A_101, %get3A_102] : memref<1x1xf32, #tpu.memory_space<vmem>>, vector<1x1xf32>
      %add3A_104 = vector.broadcast %get3A_103 : vector<1x1xf32> to vector<64x1xf32>
      %add3A_105 = arith.addf %dot_general3A_100, %add3A_104 : vector<64x1xf32>
      %swap3A_106 = arith.constant 0 : index
      %swap3A_107 = arith.constant 0 : index
      %swap3A_108 = vector.load %arg14[%swap3A_106, %swap3A_107] : memref<64x1xf32, #tpu.memory_space<vmem>>, vector<64x1xf32>
      tpu.vector_store %arg14[%swap3A_106, %swap3A_107], %add3A_105 {strides = array<i32>} : memref<64x1xf32, #tpu.memory_space<vmem>>, vector<64x1xf32>,
    } else {
    }
    return
  }
  func.func @transform_0(%arg0: i32) -> (i32, i32) {
    %c0_i32 = arith.constant 0 : i32
    %c0_i32_0 = arith.constant 0 : i32
    return %arg0, %c0_i32 : i32, i32
  }
  func.func @transform_1(%arg0: i32) -> (i32, i32) {
    %c0_i32 = arith.constant 0 : i32
    %c0_i32_0 = arith.constant 0 : i32
    return %arg0, %c0_i32 : i32, i32
  }
  func.func @transform_2(%arg0: i32) -> (i32, i32) {
    %c0_i32 = arith.constant 0 : i32
    %c0_i32_0 = arith.constant 0 : i32
    return %arg0, %c0_i32 : i32, i32
  }
  func.func @transform_3(%arg0: i32) -> (i32, i32) {
    %c0_i32 = arith.constant 0 : i32
    %c0_i32_0 = arith.constant 0 : i32
    %c0_i32_1 = arith.constant 0 : i32
    return %c0_i32, %c0_i32_0 : i32, i32
  }
  func.func @transform_4(%arg0: i32) -> (i32, i32) {
    %c0_i32 = arith.constant 0 : i32
    %c0_i32_0 = arith.constant 0 : i32
    %c0_i32_1 = arith.constant 0 : i32
    return %c0_i32, %c0_i32_0 : i32, i32
  }
  func.func @transform_5(%arg0: i32) -> (i32, i32) {
    %c0_i32 = arith.constant 0 : i32
    %c0_i32_0 = arith.constant 0 : i32
    %c0_i32_1 = arith.constant 0 : i32
    return %c0_i32, %c0_i32_0 : i32, i32
  }
  func.func @transform_6(%arg0: i32) -> (i32, i32) {
    %c0_i32 = arith.constant 0 : i32
    %c0_i32_0 = arith.constant 0 : i32
    %c0_i32_1 = arith.constant 0 : i32
    return %c0_i32, %c0_i32_0 : i32, i32
  }
  func.func @transform_7(%arg0: i32) -> (i32, i32) {
    %c0_i32 = arith.constant 0 : i32
    %c0_i32_0 = arith.constant 0 : i32
    %c0_i32_1 = arith.constant 0 : i32
    return %c0_i32, %c0_i32_0 : i32, i32
  }
  func.func @transform_8(%arg0: i32) -> (i32, i32) {
    %c0_i32 = arith.constant 0 : i32
    %c0_i32_0 = arith.constant 0 : i32
    %c0_i32_1 = arith.constant 0 : i32
    return %c0_i32, %c0_i32_0 : i32, i32
  }
  func.func @transform_9(%arg0: i32) -> (i32, i32) {
    %c0_i32 = arith.constant 0 : i32
    %c0_i32_0 = arith.constant 0 : i32
    %c0_i32_1 = arith.constant 0 : i32
    return %c0_i32, %c0_i32_0 : i32, i32
  }
  func.func @transform_10(%arg0: i32) -> (i32, i32) {
    %c0_i32 = arith.constant 0 : i32
    %c0_i32_0 = arith.constant 0 : i32
    %c0_i32_1 = arith.constant 0 : i32
    return %c0_i32, %c0_i32_0 : i32, i32
  }
  func.func @transform_11(%arg0: i32) -> (i32, i32) {
    %c0_i32 = arith.constant 0 : i32
    %c0_i32_0 = arith.constant 0 : i32
    %c0_i32_1 = arith.constant 0 : i32
    return %c0_i32, %c0_i32_0 : i32, i32
  }
  func.func @transform_12(%arg0: i32) -> (i32, i32) {
    %c0_i32 = arith.constant 0 : i32
    %c0_i32_0 = arith.constant 0 : i32
    %c0_i32_1 = arith.constant 0 : i32
    return %c0_i32, %c0_i32_0 : i32, i32
  }
  func.func @transform_13(%arg0: i32) -> (i32, i32) {
    %c0_i32 = arith.constant 0 : i32
    %c0_i32_0 = arith.constant 0 : i32
    %c0_i32_1 = arith.constant 0 : i32
    return %c0_i32, %c0_i32_0 : i32, i32
  }
}

</mosaic_0001>

<sc_bundles>
// kernel: kernel.11.cloned.1.call-start
scs
__scs_entry_jumppad:
0x0: {  	(pc) =	sbr.rel $0x88, $3  }
0x1: {  	(tag) =	ssettag $0x0;
	lr =	simm.s32 $0x1  }
0x2: {  	[smem:$0x3F88] =	sst lr;
	_ =	strace $0xD0000000  }
0x3: {  	_ = 	snop  }
0x4: {  	_ = 	snop  }
0x5: {  	_ = 	snop  }
0x6: {  	_ = 	snop  }
0x7: {  	_ = 	snop  }
__scs_overlays_trampoline_lowered:
0x8: {  	[smem:$0x3F97] =	sst s0  }
0x9: {  	[smem:$0x3F98] =	sst s1  }
0xa: {  	[smem:$0x3F99] =	sst s2  }
0xb: {  	[smem:$0x3F9A] =	sst s3  }
0xc: {  	[smem:$0x3F9B] =	sst s4  }
0xd: {  	[smem:$0x3F9C] =	sst s5  }
0xe: {  	[smem:$0x3F9D] =	sst s6  }
0xf: {  	[smem:$0x3F9E] =	sst s7  }
0x10: {  	[smem:$0x3F9F] =	sst s8  }
0x11: {  	[smem:$0x3FA0] =	sst s9;
	s0 =	simm.s32 @!p0 $0x0  }
0x12: {  	s1 =	sld [smem:$0x3F86];
	s0 =	simm.s32 @p0 $0x1  }
0x13: {  	[smem:$0x3FA1] =	sst s0;
	s0 =	simm.s32 @!p1 $0x0  }
0x14: {  	s2 =	sld [smem:$0x3F85];
	s0 =	simm.s32 @p1 $0x1  }
0x15: {  	[smem:$0x3FA2] =	sst s0;
	s0 =	simm.s32 @!p2 $0x0  }
0x16: {  	s3 =	sld [smem:$0x3FDB];
	s0 =	simm.s32 @p2 $0x1  }
0x17: {  	s4 =	simm.s32 $0x1BF5;
	[smem:$0x3FA4] =	sst s0  }
0x18: {  	s0 =	sld [smem:$0x3F87];
	_ =	swait.ge [sflag:s4], $0x0  }
0x19: {  	s7 =	sld [smem:$0x3F88]  }
0x1a: {  	s8 =	sadd.s32 $0xFFFFE003, lr  }
0x1b: {  	s9 =	sadd.s32 $0xFFFFFEF7, lr;
	s5 =	simm.s32 $0xFFFFFFFF;
	p2 =	slt.u32 s8, $0xFFFFF086  }
0x1c: {  	p1 =	slt.u32 s9, $0xF7A;
	s5 =	simm.s32 @!p2 $0x0  }
0x1d: {  	s5 =	simm.s32 @p1 $0x1;
	p0 =	seq.s32 s7, s2  }
0x1e: {  	s7 =	smul.u32 @!p0 $0xF7A, s2;
	p2 =	seq.s32 @!p0 s5, $0x0  }
0x1f: {  	s9 =	smul.u32 $0xF7A, s1;
	s8 =	simm.s32 @!p0 $0x1BF5;
	p2 =	por !p2, p0  }
0x20: {  	[sflag:s8] =	ssyncset.s32 @!p0 $0xFFFFF086;
	s6 =	sadd.s32 @!p0 s3, s7;
	s7 =	simm.s32 @!p0 $0x108  }
0x21: {  	s3 =	sadd.s32 s3, s9;
	s6 =	sadd.s32 @!p0 $0x88, s6;
	s7 =	simm.s32 @p2 $0x1082  }
0x22: {  	[simem:s7], [sflag:s8] =	dma.local @!p0 [hbm:s6], $0xF7A  }
0x23: {  	s9 =	sor.u32 $0xD0000000, s2;
	s6 =	simm.s32 $0x108;
	_ =	swait.ge @!p0 [sflag:s8], $0x0  }
0x24: {  	s3 =	sadd.s32 $0x88, s3;
	s6 =	simm.s32 @!p1 $0x1082;
	[sflag:s4] =	ssyncset.s32 $0xFFFFF086  }
0x25: {  	[simem:s6], [sflag:s4] =	dma.local [hbm:s3], $0xF7A  }
0x26: {  	[smem:$0x3F88] =	sst s1;
	(tag) =	ssettag s2;
	_ =	strace s9  }
0x27: {  	s1 =	sld [smem:$0x3F98]  }
0x28: {  	s2 =	sld [smem:$0x3F99]  }
0x29: {  	s4 =	sld [smem:$0x3F9B]  }
0x2a: {  	p0 =	seq.s32 s5, $0x0;
	s5 =	sld [smem:$0x3F9C]  }
0x2b: {  	s6 =	sld [smem:$0x3F9D]  }
0x2c: {  	s7 =	sld [smem:$0x3F9E]  }
0x2d: {  	s3 =	simm.s32 $0x108;
	s8 =	sld [smem:$0x3F9F]  }
0x2e: {  	s3 =	simm.s32 @!p0 $0x1082;
	s9 =	sld [smem:$0x3FA0]  }
0x2f: {  	lr =	sadd.s32 s0, s3;
	s0 =	sld [smem:$0x3F97]  }
0x30: {  	s3 =	sld [smem:$0x3F9A]  }
0x31: {  	[smem:$0x3FA3] =	sst s10  }
0x32: {  	s10 =	sld [smem:$0x3FA1];
	_ =	sdelay $0x3  }
0x33: {  	p0 =	seq.s32 s10, $0x1;
	s10 =	sld [smem:$0x3FA3];
	_ =	sdelay $0x3  }
0x34: {  	[smem:$0x3FA3] =	sst s10  }
0x35: {  	s10 =	sld [smem:$0x3FA2];
	_ =	sdelay $0x3  }
0x36: {  	p1 =	seq.s32 s10, $0x1;
	s10 =	sld [smem:$0x3FA3];
	_ =	sdelay $0x3  }
0x37: {  	[smem:$0x3FA3] =	sst s10  }
0x38: {  	s10 =	sld [smem:$0x3FA4]  }
0x39: {  	_ = 	snop;
	(pc) =	sbr.ind lr, $3  }
0x3a: {  	_ = 	snop  }
0x3b: {  	_ = 	snop  }
0x3c: {  	p2 =	seq.s32 s10, $0x1;
	s10 =	sld [smem:$0x3FA3]  }
0x3d: {  	_ =	shalt  }
0x3e: {  	_ =	shalt  }
0x3f: {  	_ =	shalt  }
0x40: {  	_ =	shalt  }
0x41: {  	_ =	shalt  }
0x42: {  	_ =	shalt  }
0x43: {  	_ =	shalt  }
0x44: {  	_ =	shalt  }
0x45: {  	_ =	shalt  }
0x46: {  	_ =	shalt  }
0x47: {  	_ =	shalt  }
0x48: {  	_ =	shalt  }
0x49: {  	_ =	shalt  }
0x4a: {  	_ =	shalt  }
0x4b: {  	_ =	shalt  }
0x4c: {  	_ =	shalt  }
0x4d: {  	_ =	shalt  }
0x4e: {  	_ =	shalt  }
0x4f: {  	_ =	shalt  }
0x50: {  	_ =	shalt  }
0x51: {  	_ =	shalt  }
0x52: {  	_ =	shalt  }
0x53: {  	_ =	shalt  }
0x54: {  	_ =	shalt  }
0x55: {  	_ =	shalt  }
0x56: {  	_ =	shalt  }
0x57: {  	_ =	shalt  }
0x58: {  	_ =	shalt  }
0x59: {  	_ =	shalt  }
0x5a: {  	_ =	shalt  }
0x5b: {  	_ =	shalt  }
0x5c: {  	_ =	shalt  }
0x5d: {  	_ =	shalt  }
0x5e: {  	_ =	shalt  }
0x5f: {  	_ =	shalt  }
0x60: {  	_ =	shalt  }
0x61: {  	_ =	shalt  }
0x62: {  	_ =	shalt  }
0x63: {  	_ =	shalt  }
0x64: {  	_ =	shalt  }
0x65: {  	_ =	shalt  }
0x66: {  	_ =	shalt  }
0x67: {  	_ =	shalt  }
0x68: {  	_ =	shalt  }
0x69: {  	_ =	shalt  }
0x6a: {  	_ =	shalt  }
0x6b: {  	_ =	shalt  }
0x6c: {  	_ =	shalt  }
0x6d: {  	_ =	shalt  }
0x6e: {  	_ =	shalt  }
0x6f: {  	_ =	shalt  }
0x70: {  	_ =	shalt  }
0x71: {  	_ =	shalt  }
0x72: {  	_ =	shalt  }
0x73: {  	_ =	shalt  }
0x74: {  	_ =	shalt  }
0x75: {  	_ =	shalt  }
0x76: {  	_ =	shalt  }
0x77: {  	_ =	shalt  }
0x78: {  	_ =	shalt  }
0x79: {  	_ =	shalt  }
0x7a: {  	_ =	shalt  }
0x7b: {  	_ =	shalt  }
0x7c: {  	_ =	shalt  }
0x7d: {  	_ =	shalt  }
0x7e: {  	_ =	shalt  }
0x7f: {  	_ =	shalt  }
0x80: {  	_ =	shalt  }
0x81: {  	_ =	shalt  }
0x82: {  	_ =	shalt  }
0x83: {  	_ =	shalt  }
0x84: {  	_ =	shalt  }
0x85: {  	_ =	shalt  }
0x86: {  	_ =	shalt  }
0x87: {  	_ =	shalt  }
.Lfunc_end0:
.L_simem_size_0:
called_computation_lowered:
.L_overlay_start_0:
0x88: {  	s2 =	sld [smem:$0x3FD9]  }
0x89: {  	s3 =	sld [smem:$0x3FFE];
	_ =	sdelay $0x1  }
0x8a: {  	s1 =	srdreg.scid  }
0x8b: {  	s0 =	sand.u32 $0x1, s1  }
0x8c: {  	s16 =	sshll.u32 s0, $0xA;
	s2 =	sadd.s32 s3, s2  }
0x8d: {  	s2 =	sadd.s32 s2, s16  }
0x8e: {  	[smem:$0x3FAF] =	sst s2  }
0x8f: {  	_ = 	snop  }
0x90: {  	(tm) =	ssettm $0x1  }
0x91: {  	s17 =	sld [smem:$0x3FFB];
	_ =	sdelay $0x3  }
0x92: {  	_ =	strace s17  }
0x93: {  	s2 =	sld [smem:$0x3FFC];
	_ =	sdelay $0x3  }
0x94: {  	_ =	strace s2  }
0x95: {  	s2 =	sld [smem:$0x3FFD];
	_ =	sdelay $0x3  }
0x96: {  	_ =	strace s2  }
0x97: {  	_ =	strace $0x8FFFFFFF  }
0x98: {  	s18 =	sld [smem:$0x3FDB];
	_ =	sdelay $0x1  }
0x99: {  	s19 =	simm.s32 $_scs_section_size  }
0x9a: {  	s4 =	simm.s32 $_size__tile_overlayer_lowered;
	s5 =	simm.s32 $_tile_overlayer_lowered  }
0x9b: {  	s22 =	simm.s32 $0x1BFF;
	s21 =	sshll.u32 s5, $0x1;
	s2 =	sadd.s32 s19, s18  }
0x9c: {  	s6 =	simm.s32 $0x0;
	s20 =	sshll.u32 s4, $0x1;
	s4 =	sadd.s32 s21, s2  }
0x9d: {  	[timem:s6], [sflag:s22] =	dma.local [hbm:s4], s20  }
0x9e: {  	_ =	swait.ge [sflag:s22], s20  }
0x9f: {  	s3 =	ssub.s32 $0x0, s20;
	[sflag:s22] =	ssyncset.done $0x0  }
0xa0: {  	[sflag:s22] =	ssyncadd.s32 s3;
	_ =	sdelay $0x1  }
0xa1: {  	s23 =	simm.s32 $0x1B8B  }
0xa2: {  	_ =	swait.ge [sflag:s23], $0x1  }
0xa3: {  	[sflag:s23] =	ssyncset.done $0x0  }
0xa4: {  	s25 =	simm.s32 $0x1B8E;
	s24 =	sld [smem:$0x3FFE];
	[sflag:s23] =	ssyncadd.s32 $0xFFFFFFFF  }
0xa5: {  	s26 =	simm.s32 $execute0_lowered;
	[smem:$0x3FD2] =	sst s25  }
0xa6: {  	s4 =	sshll.u32 s26, $0x1;
	_ =	strace $0x80000046;
	[dreg:$0x1] =	wrdreg $0xFFFFFFFF  }
0xa7: {  	s28 =	simm.s32 $_size_execute0_lowered;
	s2 =	sadd.s32 s2, s4;
	[dreg:$0x0] =	wrdreg $0x0  }
0xa8: {  	s4 =	sshll.u32 s28, $0x1;
	[dreg:$0x2] =	wrdreg s2  }
0xa9: {  	[dreg:$0x3] =	wrdreg s4  }
0xaa: {  	[dreg:$0x4] =	wrdreg $0xC0  }
0xab: {  	_ =	task [dreg:s6], $0x5FFFF  }
0xac: {  	[dreg:$0x1] =	wrdreg $0xFFFFFFFF  }
0xad: {  	[dreg:$0x0] =	wrdreg $0x60  }
0xae: {  	[dreg:$0x2] =	wrdreg s24  }
0xaf: {  	[dreg:$0x3] =	wrdreg $0x170000  }
0xb0: {  	[dreg:$0x4] =	wrdreg $0x9  }
0xb1: {  	_ =	task.clear_ibuf [dreg:s6], $0x5FFFF;
	_ =	strace $0x90000046  }
0xb2: {  	s29 =	simm.s32 $0x9;
	_ =	strace $0x80000048  }
0xb3: {  	_ =	swait.ge [sflag:s29], $0x1  }
0xb4: {  	[sflag:s29] =	ssyncadd.s32 $0xFFFFFFFF  }
0xb5: {  	_ =	strace $0x90000048  }
0xb6: {  	_ =	sfence  }
0xb7: {  	s30 =	sld [smem:$0x0];
	_ =	sdelay $0x2  }
0xb8: {  	s31 =	sshll.u32 s1, $0xD;
	s1 =	sshrl.u32 s1, $0x2  }
0xb9: {  	s3 =	sand.u32 $0x4000, s31;
	s1 =	sadd.s32 s1, s30  }
0xba: {  	s0 =	sor.u32 s3, s0;
	s1 =	sshll.u32 s1, $0x11  }
0xbb: {  	s0 =	sor.u32 s1, s0  }
0xbc: {  	s0 =	sadd.s32 $0x8F2B, s0  }
0xbd: {  	[sflag:s0] =	ssyncadd.remote.s32 $0x1  }
0xbe: {  	_ =	sfence.sel $0xFFFF  }
0xbf: {  	[dreg:$0x0] =	wrdreg $0xFFFFFFFF;
	(pc) =	sbr.abs _section_cstart, $3  }
0xc0: {  	[dreg:$0x1] =	wrdreg $0xFFFFFFFF  }
0xc1: {  	_ =	task.clear_ibuf [dreg:s6], $0x2FFFF;
	_ =	strace $0x9FFFFFFF  }
0xc2: {  	(tm) =	ssettm $0x7FFFFFFF  }
0xc3: {  	_ =	shalt  }
tec
execute0_lowered:
.L_overlay_start_1:
0x0: {  	(tag) =	ssettag $0x1  }
0x1: {  	s1 =	srdreg.scid;
	s6 =	rddreg [dreg:$0x0]  }
0x2: {  	s0 =	stileid.u32;
	s2 =	rddreg [dreg:$0x1];
	s3 =	simm.s32 $0x0  }
0x3: {  	s16 =	simm.s32 $0x16800;
	s17 =	simm.s32 $0x80;
	s18 =	simm.s32 $0x1  }
0x4: {  	s19 =	simm.s32 $0x2800;
	s20 =	simm.s32 $0x0;
	s7 =	sand.u32 $0x1, s1  }
0x5: {  	s29 =	sshll.u32 s0, $0x1;
	s1 =	rddreg [dreg:$0x2];
	s8 =	smul.u32 $0x2800, s0  }
0x6: {  	[smem:$0x7FF] =	sst s3;
	s5 =	sor.u32 s7, s29;
	s9 =	smul.u32 $0x28000, s7  }
0x7: {  	s31 =	sshll.u32 s0, $0x6;
	_ =	strace $0x80000047;
	s4 =	smul.u32 $0x280, s5  }
0x8: {  	s7 =	ssub.s32 $0x2, s7;
	s11 =	sshrl.u32 s8, $0x3;
	s12 =	smul.u32 $0x2800, s5  }
0x9: {  	s5 =	sadd.s32 $0x41A00, s6;
	s30 =	sshrl.u32 s7, $0x1;
	s15 =	sadd.s32 s8, s2  }
0xa: {  	s11 =	sadd.s32 s11, s6;
	s9 =	sadd.s32 s8, s9;
	s14 =	ssub.s32 s7, s30  }
0xb: {  	s7 =	sor.u32 $0x1C02, s31;
	s10 =	sadd.s32 s4, s6;
	s9 =	sshrl.u32 s9, $0x3  }
0xc: {  	s4 =	sadd.s32 $0x2DA00, s6;
	s12 =	sadd.s32 s12, s6;
	s13 =	sadd.s32 s9, s6  }
0xd: {  	s6 =	sadd.s32 $0x3CA00, s11;
	s8 =	sadd.s32 $0x37A00, s10;
	s9 =	sadd.s32 $0x32A00, s10  }
0xe: {  	s10 =	sadd.s32 $0x41C00, s12;
	s12 =	smax.u32 s14, $0x1;
	s14 =	simm.s32 $0x2  }
0xf: {  	s11 =	sadd.s32 $0x91C00, s13;
	s13 =	sshrl.u32 s15, $0x3;
	s15 =	simm.s32 $0x1400  }
.LBB2_1:
0x10: {  	[spmem:s13], [sflag:s7] =	dma.local [hbm:s6], $0x500  }
0x11: {  	_ =	swait.ge [sflag:s14], $0x500  }
0x12: {  	[sflag:s14] =	ssyncset.done $0x0  }
0x13: {  	[sflag:s14] =	ssyncadd.s32 $0xFFFFFB00  }
0x14: {  	[tilespmem:s3], [sflag:$0x2] =	stream.linear.gather [hbm4b:s8+s3], $0x1400, $0x38;
	[tilespmem:$0x19800] =	vst v63  }
0x15: {  	_ =	swait.ge [sflag:s14], $0x1400  }
0x16: {  	[sflag:s14] =	ssyncset.done $0x0  }
0x17: {  	[sflag:s14] =	ssyncadd.s32 $0xFFFFEC00  }
0x18: {  	[tilespmem:s15], [sflag:$0x2] =	stream.linear.gather [hbm4b:s9+s3], $0x1400, $0x38;
	[tilespmem:$0x19800] =	vst v63  }
0x19: {  	_ =	swait.ge [sflag:s14], $0x1400  }
0x1a: {  	[sflag:s14] =	ssyncset.done $0x0  }
0x1b: {  	[sflag:s14] =	ssyncadd.s32 $0xFFFFEC00  }
0x1c: {  	[tilespmem:s16], [sflag:$0x2] =	stream.linear.gather [hbm4b:s5+s3], $0x800, $0x38;
	[tilespmem:$0x19800] =	vst v63  }
0x1d: {  	_ =	swait.ge [sflag:s14], $0x800  }
0x1e: {  	[sflag:s14] =	ssyncset.done $0x0  }
0x1f: {  	[sflag:s14] =	ssyncadd.s32 $0xFFFFF800  }
0x20: {  	s21 =	simm.s32 $0x2800;
	s22 =	simm.s32 $0x0;
	[bflag:$0x0] =	sbarrier.arrive $0xFFFF  }
.LBB2_2:
0x21: {  	p0 =	sne.s32 s22, $0x4E00  }
.Ltmp0:
0x22: {  	_ = 	snop;
	(pc) =	sbr.rel @p0 .LBB2_2-.Ltmp0, $4  }
0x23: {  	_ = 	snop  }
0x24: {  	s23 =	sshra.s32 s22, $0x2  }
0x25: {  	[tilespmem:s21], [sflag:$0x1] =	stream.indirect.gather [hbm4b:s4+s17], $0x10, s23, s17, $0xb8;
	[tilespmem:$0x19800] =	vst v63  }
0x26: {  	s22 =	sadd.s32 $0x200, s22;
	s21 =	sadd.s32 $0x800, s21  }
0x27: {  	s21 =	simm.s32 $0x1400  }
0x28: {  	[spmem:s2] =	stream.indirect.scatter.add.f32 [tilespmem:s16], [sflag:$0x2], $0x10, s21, s17, $0xb8;
	[tilespmem:$0x19800] =	vst v63  }
0x29: {  	s21 =	simm.s32 $0x200;
	_ =	swait.ge [sflag:s14], $0x800  }
.LBB2_4:
0x2a: {  	s22 =	sshra.s32 s21, $0x2;
	[sflag:s14] =	ssyncset.done $0x0;
	p0 =	sne.s32 s21, $0x4E00  }
.Ltmp1:
0x2b: {  	s22 =	sadd.s32 $0x1400, s22;
	[sflag:s14] =	ssyncadd.s32 $0xFFFFF800;
	(pc) =	sbr.rel @p0 .LBB2_4-.Ltmp1, $3  }
0x2c: {  	[spmem:s2] =	stream.indirect.scatter.add.f32 [tilespmem:s16], [sflag:$0x2], $0x10, s22, s17, $0xb8;
	[tilespmem:$0x19800] =	vst v63  }
0x2d: {  	s21 =	sadd.s32 $0x200, s21;
	_ =	sdelay $0x1  }
0x2e: {  	_ =	swait.ge [sflag:s14], $0x800  }
0x2f: {  	[sflag:s14] =	ssyncset.done $0x0  }
0x30: {  	[sflag:s14] =	ssyncadd.s32 $0xFFFFF800  }
0x31: {  	_ =	swait.ge [sflag:s18], $0x800  }
0x32: {  	s21 =	simm.s32 $0x27;
	[sflag:s18] =	ssyncset.done $0x0  }
.LBB2_6:
0x33: {  	p0 =	sne.s32 s21, $0x1;
	s21 =	sadd.s32 $0xFFFFFFFF, s21;
	[sflag:s18] =	ssyncadd.s32 $0xFFFFF800  }
.Ltmp2:
0x34: {  	(pc) =	sbr.rel @p0 .LBB2_6-.Ltmp2, $3  }
0x35: {  	_ =	sdelay $0x1  }
0x36: {  	_ =	swait.ge [sflag:s18], $0x800  }
0x37: {  	[sflag:s18] =	ssyncset.done $0x0  }
0x38: {  	[sflag:s18] =	ssyncadd.s32 $0xFFFFF800  }
0x39: {  	[hbm4b:s10+s3] =	stream.linear.scatter [tilespmem:s19], [sflag:$0x2], $0x14000, $0x38;
	[tilespmem:$0x19800] =	vst v63  }
0x3a: {  	_ =	swait.ge [sflag:s14], $0x14000  }
0x3b: {  	s20 =	sadd.s32 $0x1, s20;
	[sflag:s14] =	ssyncset.done $0x0  }
0x3c: {  	p0 =	sne.s32 s20, s12;
	[sflag:s14] =	ssyncadd.s32 $0xFFFEC000  }
.Ltmp3:
0x3d: {  	[bflag:$0x0] =	sbarrier.arrive $0xFFFF;
	(pc) =	sbr.rel @p0 .LBB2_1-.Ltmp3, $4  }
0x3e: {  	[hbm:s11], [sflag:s7] =	dma.local [spmem:s13], $0x500  }
0x3f: {  	_ =	swait.ge [sflag:s14], $0x500  }
0x40: {  	[sflag:s14] =	ssyncset.done $0x0  }
0x41: {  	[sflag:s14] =	ssyncadd.s32 $0xFFFFFB00  }
0x42: {  	_ =	sfence.sel $0x180000  }
0x43: {  	[bflag:$0x0] =	sbarrier.arrive $0xFFFF  }
0x44: {  	p0 =	sne.s32 s0, $0x0;
	_ =	strace $0x90000047  }
0x45: {  	s0 =	sadd.s32 @!p0 $0x100000, s1;
	[bflag:$0x2] =	sbarrier.arrive $0xFFFF  }
0x46: {  	[sflag:s0] =	ssyncadd.tile.s32 @!p0 $0x1;
	_ =	shalt  }
.Lfunc_end2:
_tile_overlayer_lowered:
.L_overlay_start_2:
0x47: {  	(tag) =	ssettag $0x2  }
0x48: {  	s0 =	rddreg [dreg:$0x0];
	s2 =	stileid.u32  }
0x49: {  	s1 =	rddreg [dreg:$0x1];
	p0 =	sne.s32 s2, $0x0  }
0x4a: {  	s3 =	rddreg [dreg:$0x2];
	[bflag:$0x3] =	sbarrier.arrive $0xFFFF;
	s2 =	simm.s32 @!p0 $0x1C02  }
0x4b: {  	[timem:s3], [sflag:s2] =	dma.local @!p0 [hbm:s0], s1  }
0x4c: {  	s0 =	simm.s32 @!p0 $0x2  }
0x4d: {  	_ =	swait.ge @!p0 [sflag:s0], s1  }
0x4e: {  	s1 =	ssub.s32 @!p0 $0x0, s1;
	[sflag:s0] =	ssyncset.done @!p0 $0x0  }
0x4f: {  	[sflag:s0] =	ssyncadd.s32 @!p0 s1  }
0x50: {  	[bflag:$0x3] =	sbarrier.arrive $0xFFFF  }
0x51: {  	_ =	shalt  }

// kernel: kernel.14.cloned.1.call-start
scs
__scs_entry_jumppad:
0x0: {  	(pc) =	sbr.rel $0x88, $3  }
0x1: {  	(tag) =	ssettag $0x0;
	lr =	simm.s32 $0x1  }
0x2: {  	[smem:$0x3F88] =	sst lr;
	_ =	strace $0xD0000000  }
0x3: {  	_ = 	snop  }
0x4: {  	_ = 	snop  }
0x5: {  	_ = 	snop  }
0x6: {  	_ = 	snop  }
0x7: {  	_ = 	snop  }
__scs_overlays_trampoline_lowered:
0x8: {  	[smem:$0x3F97] =	sst s0  }
0x9: {  	[smem:$0x3F98] =	sst s1  }
0xa: {  	[smem:$0x3F99] =	sst s2  }
0xb: {  	[smem:$0x3F9A] =	sst s3  }
0xc: {  	[smem:$0x3F9B] =	sst s4  }
0xd: {  	[smem:$0x3F9C] =	sst s5  }
0xe: {  	[smem:$0x3F9D] =	sst s6  }
0xf: {  	[smem:$0x3F9E] =	sst s7  }
0x10: {  	[smem:$0x3F9F] =	sst s8  }
0x11: {  	[smem:$0x3FA0] =	sst s9;
	s0 =	simm.s32 @!p0 $0x0  }
0x12: {  	s1 =	sld [smem:$0x3F86];
	s0 =	simm.s32 @p0 $0x1  }
0x13: {  	[smem:$0x3FA1] =	sst s0;
	s0 =	simm.s32 @!p1 $0x0  }
0x14: {  	s2 =	sld [smem:$0x3F85];
	s0 =	simm.s32 @p1 $0x1  }
0x15: {  	[smem:$0x3FA2] =	sst s0;
	s0 =	simm.s32 @!p2 $0x0  }
0x16: {  	s3 =	sld [smem:$0x3FDB];
	s0 =	simm.s32 @p2 $0x1  }
0x17: {  	s4 =	simm.s32 $0x1BF5;
	[smem:$0x3FA4] =	sst s0  }
0x18: {  	s0 =	sld [smem:$0x3F87];
	_ =	swait.ge [sflag:s4], $0x0  }
0x19: {  	s7 =	sld [smem:$0x3F88]  }
0x1a: {  	s8 =	sadd.s32 $0xFFFFE003, lr  }
0x1b: {  	s9 =	sadd.s32 $0xFFFFFEF7, lr;
	s5 =	simm.s32 $0xFFFFFFFF;
	p2 =	slt.u32 s8, $0xFFFFF086  }
0x1c: {  	p1 =	slt.u32 s9, $0xF7A;
	s5 =	simm.s32 @!p2 $0x0  }
0x1d: {  	s5 =	simm.s32 @p1 $0x1;
	p0 =	seq.s32 s7, s2  }
0x1e: {  	s7 =	smul.u32 @!p0 $0xF7A, s2;
	p2 =	seq.s32 @!p0 s5, $0x0  }
0x1f: {  	s9 =	smul.u32 $0xF7A, s1;
	s8 =	simm.s32 @!p0 $0x1BF5;
	p2 =	por !p2, p0  }
0x20: {  	[sflag:s8] =	ssyncset.s32 @!p0 $0xFFFFF086;
	s6 =	sadd.s32 @!p0 s3, s7;
	s7 =	simm.s32 @!p0 $0x108  }
0x21: {  	s3 =	sadd.s32 s3, s9;
	s6 =	sadd.s32 @!p0 $0x88, s6;
	s7 =	simm.s32 @p2 $0x1082  }
0x22: {  	[simem:s7], [sflag:s8] =	dma.local @!p0 [hbm:s6], $0xF7A  }
0x23: {  	s9 =	sor.u32 $0xD0000000, s2;
	s6 =	simm.s32 $0x108;
	_ =	swait.ge @!p0 [sflag:s8], $0x0  }
0x24: {  	s3 =	sadd.s32 $0x88, s3;
	s6 =	simm.s32 @!p1 $0x1082;
	[sflag:s4] =	ssyncset.s32 $0xFFFFF086  }
0x25: {  	[simem:s6], [sflag:s4] =	dma.local [hbm:s3], $0xF7A  }
0x26: {  	[smem:$0x3F88] =	sst s1;
	(tag) =	ssettag s2;
	_ =	strace s9  }
0x27: {  	s1 =	sld [smem:$0x3F98]  }
0x28: {  	s2 =	sld [smem:$0x3F99]  }
0x29: {  	s4 =	sld [smem:$0x3F9B]  }
0x2a: {  	p0 =	seq.s32 s5, $0x0;
	s5 =	sld [smem:$0x3F9C]  }
0x2b: {  	s6 =	sld [smem:$0x3F9D]  }
0x2c: {  	s7 =	sld [smem:$0x3F9E]  }
0x2d: {  	s3 =	simm.s32 $0x108;
	s8 =	sld [smem:$0x3F9F]  }
0x2e: {  	s3 =	simm.s32 @!p0 $0x1082;
	s9 =	sld [smem:$0x3FA0]  }
0x2f: {  	lr =	sadd.s32 s0, s3;
	s0 =	sld [smem:$0x3F97]  }
0x30: {  	s3 =	sld [smem:$0x3F9A]  }
0x31: {  	[smem:$0x3FA3] =	sst s10  }
0x32: {  	s10 =	sld [smem:$0x3FA1];
	_ =	sdelay $0x3  }
0x33: {  	p0 =	seq.s32 s10, $0x1;
	s10 =	sld [smem:$0x3FA3];
	_ =	sdelay $0x3  }
0x34: {  	[smem:$0x3FA3] =	sst s10  }
0x35: {  	s10 =	sld [smem:$0x3FA2];
	_ =	sdelay $0x3  }
0x36: {  	p1 =	seq.s32 s10, $0x1;
	s10 =	sld [smem:$0x3FA3];
	_ =	sdelay $0x3  }
0x37: {  	[smem:$0x3FA3] =	sst s10  }
0x38: {  	s10 =	sld [smem:$0x3FA4]  }
0x39: {  	_ = 	snop;
	(pc) =	sbr.ind lr, $3  }
0x3a: {  	_ = 	snop  }
0x3b: {  	_ = 	snop  }
0x3c: {  	p2 =	seq.s32 s10, $0x1;
	s10 =	sld [smem:$0x3FA3]  }
0x3d: {  	_ =	shalt  }
0x3e: {  	_ =	shalt  }
0x3f: {  	_ =	shalt  }
0x40: {  	_ =	shalt  }
0x41: {  	_ =	shalt  }
0x42: {  	_ =	shalt  }
0x43: {  	_ =	shalt  }
0x44: {  	_ =	shalt  }
0x45: {  	_ =	shalt  }
0x46: {  	_ =	shalt  }
0x47: {  	_ =	shalt  }
0x48: {  	_ =	shalt  }
0x49: {  	_ =	shalt  }
0x4a: {  	_ =	shalt  }
0x4b: {  	_ =	shalt  }
0x4c: {  	_ =	shalt  }
0x4d: {  	_ =	shalt  }
0x4e: {  	_ =	shalt  }
0x4f: {  	_ =	shalt  }
0x50: {  	_ =	shalt  }
0x51: {  	_ =	shalt  }
0x52: {  	_ =	shalt  }
0x53: {  	_ =	shalt  }
0x54: {  	_ =	shalt  }
0x55: {  	_ =	shalt  }
0x56: {  	_ =	shalt  }
0x57: {  	_ =	shalt  }
0x58: {  	_ =	shalt  }
0x59: {  	_ =	shalt  }
0x5a: {  	_ =	shalt  }
0x5b: {  	_ =	shalt  }
0x5c: {  	_ =	shalt  }
0x5d: {  	_ =	shalt  }
0x5e: {  	_ =	shalt  }
0x5f: {  	_ =	shalt  }
0x60: {  	_ =	shalt  }
0x61: {  	_ =	shalt  }
0x62: {  	_ =	shalt  }
0x63: {  	_ =	shalt  }
0x64: {  	_ =	shalt  }
0x65: {  	_ =	shalt  }
0x66: {  	_ =	shalt  }
0x67: {  	_ =	shalt  }
0x68: {  	_ =	shalt  }
0x69: {  	_ =	shalt  }
0x6a: {  	_ =	shalt  }
0x6b: {  	_ =	shalt  }
0x6c: {  	_ =	shalt  }
0x6d: {  	_ =	shalt  }
0x6e: {  	_ =	shalt  }
0x6f: {  	_ =	shalt  }
0x70: {  	_ =	shalt  }
0x71: {  	_ =	shalt  }
0x72: {  	_ =	shalt  }
0x73: {  	_ =	shalt  }
0x74: {  	_ =	shalt  }
0x75: {  	_ =	shalt  }
0x76: {  	_ =	shalt  }
0x77: {  	_ =	shalt  }
0x78: {  	_ =	shalt  }
0x79: {  	_ =	shalt  }
0x7a: {  	_ =	shalt  }
0x7b: {  	_ =	shalt  }
0x7c: {  	_ =	shalt  }
0x7d: {  	_ =	shalt  }
0x7e: {  	_ =	shalt  }
0x7f: {  	_ =	shalt  }
0x80: {  	_ =	shalt  }
0x81: {  	_ =	shalt  }
0x82: {  	_ =	shalt  }
0x83: {  	_ =	shalt  }
0x84: {  	_ =	shalt  }
0x85: {  	_ =	shalt  }
0x86: {  	_ =	shalt  }
0x87: {  	_ =	shalt  }
.Lfunc_end0:
.L_simem_size_0:
called_computation.1_lowered:
.L_overlay_start_0:
0x88: {  	s2 =	sld [smem:$0x3FD9]  }
0x89: {  	s3 =	sld [smem:$0x3FFE];
	_ =	sdelay $0x1  }
0x8a: {  	s1 =	srdreg.scid  }
0x8b: {  	s0 =	sand.u32 $0x1, s1  }
0x8c: {  	s16 =	sshll.u32 s0, $0xA;
	s2 =	sadd.s32 s3, s2  }
0x8d: {  	s2 =	sadd.s32 s2, s16  }
0x8e: {  	[smem:$0x3FAF] =	sst s2  }
0x8f: {  	_ = 	snop  }
0x90: {  	(tm) =	ssettm $0x1  }
0x91: {  	s17 =	sld [smem:$0x3FFB];
	_ =	sdelay $0x3  }
0x92: {  	_ =	strace s17  }
0x93: {  	s2 =	sld [smem:$0x3FFC];
	_ =	sdelay $0x3  }
0x94: {  	_ =	strace s2  }
0x95: {  	s2 =	sld [smem:$0x3FFD];
	_ =	sdelay $0x3  }
0x96: {  	_ =	strace s2  }
0x97: {  	_ =	strace $0x8FFFFFFF  }
0x98: {  	s18 =	sld [smem:$0x3FDB];
	_ =	sdelay $0x1  }
0x99: {  	s19 =	simm.s32 $_scs_section_size  }
0x9a: {  	s4 =	simm.s32 $_size__tile_overlayer_lowered;
	s5 =	simm.s32 $_tile_overlayer_lowered  }
0x9b: {  	s22 =	simm.s32 $0x1BFF;
	s21 =	sshll.u32 s5, $0x1;
	s2 =	sadd.s32 s19, s18  }
0x9c: {  	s6 =	simm.s32 $0x0;
	s20 =	sshll.u32 s4, $0x1;
	s4 =	sadd.s32 s21, s2  }
0x9d: {  	[timem:s6], [sflag:s22] =	dma.local [hbm:s4], s20  }
0x9e: {  	_ =	swait.ge [sflag:s22], s20  }
0x9f: {  	s3 =	ssub.s32 $0x0, s20;
	[sflag:s22] =	ssyncset.done $0x0  }
0xa0: {  	[sflag:s22] =	ssyncadd.s32 s3;
	_ =	sdelay $0x1  }
0xa1: {  	s23 =	simm.s32 $0x1B8B  }
0xa2: {  	_ =	swait.ge [sflag:s23], $0x1  }
0xa3: {  	[sflag:s23] =	ssyncset.done $0x0  }
0xa4: {  	s25 =	simm.s32 $0x1B8E;
	s24 =	sld [smem:$0x3FFE];
	[sflag:s23] =	ssyncadd.s32 $0xFFFFFFFF  }
0xa5: {  	s26 =	simm.s32 $execute0_lowered;
	[smem:$0x3FD2] =	sst s25  }
0xa6: {  	s4 =	sshll.u32 s26, $0x1;
	_ =	strace $0x80000049;
	[dreg:$0x1] =	wrdreg $0xFFFFFFFF  }
0xa7: {  	s28 =	simm.s32 $_size_execute0_lowered;
	s2 =	sadd.s32 s2, s4;
	[dreg:$0x0] =	wrdreg $0x0  }
0xa8: {  	s4 =	sshll.u32 s28, $0x1;
	[dreg:$0x2] =	wrdreg s2  }
0xa9: {  	[dreg:$0x3] =	wrdreg s4  }
0xaa: {  	[dreg:$0x4] =	wrdreg $0xC0  }
0xab: {  	_ =	task [dreg:s6], $0x5FFFF  }
0xac: {  	[dreg:$0x1] =	wrdreg $0xFFFFFFFF  }
0xad: {  	[dreg:$0x0] =	wrdreg $0x60  }
0xae: {  	[dreg:$0x2] =	wrdreg s24  }
0xaf: {  	[dreg:$0x3] =	wrdreg $0x154000  }
0xb0: {  	[dreg:$0x4] =	wrdreg $0x9  }
0xb1: {  	_ =	task.clear_ibuf [dreg:s6], $0x5FFFF;
	_ =	strace $0x90000049  }
0xb2: {  	s29 =	simm.s32 $0x9;
	_ =	strace $0x8000004B  }
0xb3: {  	_ =	swait.ge [sflag:s29], $0x1  }
0xb4: {  	[sflag:s29] =	ssyncadd.s32 $0xFFFFFFFF  }
0xb5: {  	_ =	strace $0x9000004B  }
0xb6: {  	_ =	sfence  }
0xb7: {  	s30 =	sld [smem:$0x0];
	_ =	sdelay $0x2  }
0xb8: {  	s31 =	sshll.u32 s1, $0xD;
	s1 =	sshrl.u32 s1, $0x2  }
0xb9: {  	s3 =	sand.u32 $0x4000, s31;
	s1 =	sadd.s32 s1, s30  }
0xba: {  	s0 =	sor.u32 s3, s0;
	s1 =	sshll.u32 s1, $0x11  }
0xbb: {  	s0 =	sor.u32 s1, s0  }
0xbc: {  	s0 =	sadd.s32 $0x8F2B, s0  }
0xbd: {  	[sflag:s0] =	ssyncadd.remote.s32 $0x1  }
0xbe: {  	_ =	sfence.sel $0xFFFF  }
0xbf: {  	[dreg:$0x0] =	wrdreg $0xFFFFFFFF;
	(pc) =	sbr.abs _section_cstart, $3  }
0xc0: {  	[dreg:$0x1] =	wrdreg $0xFFFFFFFF  }
0xc1: {  	_ =	task.clear_ibuf [dreg:s6], $0x2FFFF;
	_ =	strace $0x9FFFFFFF  }
0xc2: {  	(tm) =	ssettm $0x7FFFFFFF  }
0xc3: {  	_ =	shalt  }
tec
execute0_lowered:
.L_overlay_start_1:
0x0: {  	(tag) =	ssettag $0x1  }
0x1: {  	s1 =	srdreg.scid;
	s5 =	rddreg [dreg:$0x0]  }
0x2: {  	s0 =	stileid.u32;
	s2 =	rddreg [dreg:$0x1]  }
0x3: {  	s4 =	sand.u32 $0x1, s1;
	s30 =	sshll.u32 s0, $0x1;
	s8 =	smul.u32 $0x2800, s0  }
0x4: {  	s3 =	simm.s32 $0x0;
	s1 =	sor.u32 s4, s30;
	s9 =	smul.u32 $0x28000, s4  }
0x5: {  	s13 =	simm.s32 $0x0;
	[smem:$0x7FF] =	sst s3;
	s6 =	smul.u32 $0x280, s1  }
0x6: {  	s31 =	sshll.u32 s0, $0x6;
	s4 =	ssub.s32 $0x2, s4;
	s7 =	smul.u32 $0x2800, s1  }
0x7: {  	s1 =	rddreg [dreg:$0x2];
	_ =	strace $0x8000004A;
	s10 =	sshrl.u32 s8, $0x3  }
0x8: {  	s11 =	sshrl.u32 s4, $0x1;
	s12 =	sadd.s32 s8, s2;
	s9 =	sadd.s32 s8, s9  }
0x9: {  	s10 =	sadd.s32 s10, s5;
	s11 =	ssub.s32 s4, s11;
	s6 =	sadd.s32 s6, s5  }
0xa: {  	s7 =	sadd.s32 s7, s5;
	s9 =	sshrl.u32 s9, $0x3;
	s4 =	sadd.s32 $0x3CA00, s10  }
0xb: {  	s10 =	sshrl.u32 s12, $0x3;
	s12 =	simm.s32 $0x80;
	s9 =	sadd.s32 s9, s5  }
0xc: {  	s5 =	sor.u32 $0x1C01, s31;
	s6 =	sadd.s32 $0x32A00, s6;
	s7 =	sadd.s32 $0x41A00, s7  }
0xd: {  	s8 =	sadd.s32 $0x9BC00, s9;
	s9 =	smax.u32 s11, $0x1;
	s11 =	simm.s32 $0x1  }
.LBB2_1:
0xe: {  	[spmem:s10], [sflag:s5] =	dma.local [hbm:s4], $0x500  }
0xf: {  	_ =	swait.ge [sflag:s11], $0x500  }
0x10: {  	[sflag:s11] =	ssyncset.done $0x0  }
0x11: {  	[sflag:s11] =	ssyncadd.s32 $0xFFFFFB00  }
0x12: {  	[tilespmem:s3], [sflag:$0x1] =	stream.linear.gather [hbm4b:s6+s3], $0x1400, $0x38;
	[tilespmem:$0x17C00] =	vst v63  }
0x13: {  	_ =	swait.ge [sflag:s11], $0x1400  }
0x14: {  	[sflag:s11] =	ssyncset.done $0x0  }
0x15: {  	s14 =	simm.s32 $0x1400;
	[sflag:s11] =	ssyncadd.s32 $0xFFFFEC00  }
0x16: {  	[tilespmem:s14], [sflag:$0x1] =	stream.linear.gather [hbm4b:s7+s3], $0x14000, $0x38;
	[tilespmem:$0x17C00] =	vst v63  }
0x17: {  	_ =	swait.ge [sflag:s11], $0x14000  }
0x18: {  	[sflag:s11] =	ssyncset.done $0x0  }
0x19: {  	[sflag:s11] =	ssyncadd.s32 $0xFFFEC000  }
0x1a: {  	s15 =	simm.s32 $0x0;
	[bflag:$0x0] =	sbarrier.arrive $0xFFFF  }
0x1b: {  	[spmem:s2] =	stream.indirect.scatter.add.f32 [tilespmem:s14], [sflag:$0x1], $0x10, s15, s12, $0xb8;
	[tilespmem:$0x17C00] =	vst v63  }
0x1c: {  	_ =	swait.ge [sflag:s11], $0x800  }
0x1d: {  	s15 =	simm.s32 $0x200;
	[sflag:s11] =	ssyncset.done $0x0  }
.LBB2_2:
0x1e: {  	s16 =	sshra.s32 s15, $0x2  }
0x1f: {  	[sflag:s11] =	ssyncadd.s32 $0xFFFFF800;
	s14 =	sadd.s32 $0x800, s14;
	p0 =	sne.s32 s15, $0x4E00  }
0x20: {  	[spmem:s2] =	stream.indirect.scatter.add.f32 [tilespmem:s14], [sflag:$0x1], $0x10, s16, s12, $0xb8;
	[tilespmem:$0x17C00] =	vst v63  }
.Ltmp0:
0x21: {  	_ = 	snop;
	(pc) =	sbr.rel @p0 .LBB2_2-.Ltmp0, $4  }
0x22: {  	_ = 	snop  }
0x23: {  	s15 =	sadd.s32 $0x200, s15  }
0x24: {  	_ =	swait.ge [sflag:s11], $0x800  }
0x25: {  	[sflag:s11] =	ssyncset.done $0x0  }
0x26: {  	s13 =	sadd.s32 $0x1, s13  }
0x27: {  	[sflag:s11] =	ssyncadd.s32 $0xFFFFF800;
	p0 =	sne.s32 s13, s9  }
.Ltmp1:
0x28: {  	[bflag:$0x0] =	sbarrier.arrive $0xFFFF;
	(pc) =	sbr.rel @p0 .LBB2_1-.Ltmp1, $4  }
0x29: {  	[hbm:s8], [sflag:s5] =	dma.local [spmem:s10], $0x500  }
0x2a: {  	_ =	swait.ge [sflag:s11], $0x500  }
0x2b: {  	[sflag:s11] =	ssyncset.done $0x0  }
0x2c: {  	[sflag:s11] =	ssyncadd.s32 $0xFFFFFB00  }
0x2d: {  	_ =	sfence.sel $0x180000  }
0x2e: {  	[bflag:$0x0] =	sbarrier.arrive $0xFFFF  }
0x2f: {  	p0 =	sne.s32 s0, $0x0;
	_ =	strace $0x9000004A  }
0x30: {  	s0 =	sadd.s32 @!p0 $0x100000, s1;
	[bflag:$0x2] =	sbarrier.arrive $0xFFFF  }
0x31: {  	[sflag:s0] =	ssyncadd.tile.s32 @!p0 $0x1;
	_ =	shalt  }
.Lfunc_end2:
_tile_overlayer_lowered:
.L_overlay_start_2:
0x32: {  	(tag) =	ssettag $0x2  }
0x33: {  	s0 =	rddreg [dreg:$0x0];
	s2 =	stileid.u32  }
0x34: {  	s1 =	rddreg [dreg:$0x1];
	p0 =	sne.s32 s2, $0x0  }
0x35: {  	s3 =	rddreg [dreg:$0x2];
	[bflag:$0x3] =	sbarrier.arrive $0xFFFF;
	s2 =	simm.s32 @!p0 $0x1C01  }
0x36: {  	[timem:s3], [sflag:s2] =	dma.local @!p0 [hbm:s0], s1  }
0x37: {  	s0 =	simm.s32 @!p0 $0x1  }
0x38: {  	_ =	swait.ge @!p0 [sflag:s0], s1  }
0x39: {  	s1 =	ssub.s32 @!p0 $0x0, s1;
	[sflag:s0] =	ssyncset.done @!p0 $0x0  }
0x3a: {  	[sflag:s0] =	ssyncadd.s32 @!p0 s1  }
0x3b: {  	[bflag:$0x3] =	sbarrier.arrive $0xFFFF  }
0x3c: {  	_ =	shalt  }

// kernel: kernel.17.cloned.1.call-start
scs
__scs_entry_jumppad:
0x0: {  	(pc) =	sbr.rel $0x88, $3  }
0x1: {  	(tag) =	ssettag $0x0;
	lr =	simm.s32 $0x1  }
0x2: {  	[smem:$0x3F88] =	sst lr;
	_ =	strace $0xD0000000  }
0x3: {  	_ = 	snop  }
0x4: {  	_ = 	snop  }
0x5: {  	_ = 	snop  }
0x6: {  	_ = 	snop  }
0x7: {  	_ = 	snop  }
__scs_overlays_trampoline_lowered:
0x8: {  	[smem:$0x3F97] =	sst s0  }
0x9: {  	[smem:$0x3F98] =	sst s1  }
0xa: {  	[smem:$0x3F99] =	sst s2  }
0xb: {  	[smem:$0x3F9A] =	sst s3  }
0xc: {  	[smem:$0x3F9B] =	sst s4  }
0xd: {  	[smem:$0x3F9C] =	sst s5  }
0xe: {  	[smem:$0x3F9D] =	sst s6  }
0xf: {  	[smem:$0x3F9E] =	sst s7  }
0x10: {  	[smem:$0x3F9F] =	sst s8  }
0x11: {  	[smem:$0x3FA0] =	sst s9;
	s0 =	simm.s32 @!p0 $0x0  }
0x12: {  	s1 =	sld [smem:$0x3F86];
	s0 =	simm.s32 @p0 $0x1  }
0x13: {  	[smem:$0x3FA1] =	sst s0;
	s0 =	simm.s32 @!p1 $0x0  }
0x14: {  	s2 =	sld [smem:$0x3F85];
	s0 =	simm.s32 @p1 $0x1  }
0x15: {  	[smem:$0x3FA2] =	sst s0;
	s0 =	simm.s32 @!p2 $0x0  }
0x16: {  	s3 =	sld [smem:$0x3FDB];
	s0 =	simm.s32 @p2 $0x1  }
0x17: {  	s4 =	simm.s32 $0x1BF5;
	[smem:$0x3FA4] =	sst s0  }
0x18: {  	s0 =	sld [smem:$0x3F87];
	_ =	swait.ge [sflag:s4], $0x0  }
0x19: {  	s7 =	sld [smem:$0x3F88]  }
0x1a: {  	s8 =	sadd.s32 $0xFFFFE003, lr  }
0x1b: {  	s9 =	sadd.s32 $0xFFFFFEF7, lr;
	s5 =	simm.s32 $0xFFFFFFFF;
	p2 =	slt.u32 s8, $0xFFFFF086  }
0x1c: {  	p1 =	slt.u32 s9, $0xF7A;
	s5 =	simm.s32 @!p2 $0x0  }
0x1d: {  	s5 =	simm.s32 @p1 $0x1;
	p0 =	seq.s32 s7, s2  }
0x1e: {  	s7 =	smul.u32 @!p0 $0xF7A, s2;
	p2 =	seq.s32 @!p0 s5, $0x0  }
0x1f: {  	s9 =	smul.u32 $0xF7A, s1;
	s8 =	simm.s32 @!p0 $0x1BF5;
	p2 =	por !p2, p0  }
0x20: {  	[sflag:s8] =	ssyncset.s32 @!p0 $0xFFFFF086;
	s6 =	sadd.s32 @!p0 s3, s7;
	s7 =	simm.s32 @!p0 $0x108  }
0x21: {  	s3 =	sadd.s32 s3, s9;
	s6 =	sadd.s32 @!p0 $0x88, s6;
	s7 =	simm.s32 @p2 $0x1082  }
0x22: {  	[simem:s7], [sflag:s8] =	dma.local @!p0 [hbm:s6], $0xF7A  }
0x23: {  	s9 =	sor.u32 $0xD0000000, s2;
	s6 =	simm.s32 $0x108;
	_ =	swait.ge @!p0 [sflag:s8], $0x0  }
0x24: {  	s3 =	sadd.s32 $0x88, s3;
	s6 =	simm.s32 @!p1 $0x1082;
	[sflag:s4] =	ssyncset.s32 $0xFFFFF086  }
0x25: {  	[simem:s6], [sflag:s4] =	dma.local [hbm:s3], $0xF7A  }
0x26: {  	[smem:$0x3F88] =	sst s1;
	(tag) =	ssettag s2;
	_ =	strace s9  }
0x27: {  	s1 =	sld [smem:$0x3F98]  }
0x28: {  	s2 =	sld [smem:$0x3F99]  }
0x29: {  	s4 =	sld [smem:$0x3F9B]  }
0x2a: {  	p0 =	seq.s32 s5, $0x0;
	s5 =	sld [smem:$0x3F9C]  }
0x2b: {  	s6 =	sld [smem:$0x3F9D]  }
0x2c: {  	s7 =	sld [smem:$0x3F9E]  }
0x2d: {  	s3 =	simm.s32 $0x108;
	s8 =	sld [smem:$0x3F9F]  }
0x2e: {  	s3 =	simm.s32 @!p0 $0x1082;
	s9 =	sld [smem:$0x3FA0]  }
0x2f: {  	lr =	sadd.s32 s0, s3;
	s0 =	sld [smem:$0x3F97]  }
0x30: {  	s3 =	sld [smem:$0x3F9A]  }
0x31: {  	[smem:$0x3FA3] =	sst s10  }
0x32: {  	s10 =	sld [smem:$0x3FA1];
	_ =	sdelay $0x3  }
0x33: {  	p0 =	seq.s32 s10, $0x1;
	s10 =	sld [smem:$0x3FA3];
	_ =	sdelay $0x3  }
0x34: {  	[smem:$0x3FA3] =	sst s10  }
0x35: {  	s10 =	sld [smem:$0x3FA2];
	_ =	sdelay $0x3  }
0x36: {  	p1 =	seq.s32 s10, $0x1;
	s10 =	sld [smem:$0x3FA3];
	_ =	sdelay $0x3  }
0x37: {  	[smem:$0x3FA3] =	sst s10  }
0x38: {  	s10 =	sld [smem:$0x3FA4]  }
0x39: {  	_ = 	snop;
	(pc) =	sbr.ind lr, $3  }
0x3a: {  	_ = 	snop  }
0x3b: {  	_ = 	snop  }
0x3c: {  	p2 =	seq.s32 s10, $0x1;
	s10 =	sld [smem:$0x3FA3]  }
0x3d: {  	_ =	shalt  }
0x3e: {  	_ =	shalt  }
0x3f: {  	_ =	shalt  }
0x40: {  	_ =	shalt  }
0x41: {  	_ =	shalt  }
0x42: {  	_ =	shalt  }
0x43: {  	_ =	shalt  }
0x44: {  	_ =	shalt  }
0x45: {  	_ =	shalt  }
0x46: {  	_ =	shalt  }
0x47: {  	_ =	shalt  }
0x48: {  	_ =	shalt  }
0x49: {  	_ =	shalt  }
0x4a: {  	_ =	shalt  }
0x4b: {  	_ =	shalt  }
0x4c: {  	_ =	shalt  }
0x4d: {  	_ =	shalt  }
0x4e: {  	_ =	shalt  }
0x4f: {  	_ =	shalt  }
0x50: {  	_ =	shalt  }
0x51: {  	_ =	shalt  }
0x52: {  	_ =	shalt  }
0x53: {  	_ =	shalt  }
0x54: {  	_ =	shalt  }
0x55: {  	_ =	shalt  }
0x56: {  	_ =	shalt  }
0x57: {  	_ =	shalt  }
0x58: {  	_ =	shalt  }
0x59: {  	_ =	shalt  }
0x5a: {  	_ =	shalt  }
0x5b: {  	_ =	shalt  }
0x5c: {  	_ =	shalt  }
0x5d: {  	_ =	shalt  }
0x5e: {  	_ =	shalt  }
0x5f: {  	_ =	shalt  }
0x60: {  	_ =	shalt  }
0x61: {  	_ =	shalt  }
0x62: {  	_ =	shalt  }
0x63: {  	_ =	shalt  }
0x64: {  	_ =	shalt  }
0x65: {  	_ =	shalt  }
0x66: {  	_ =	shalt  }
0x67: {  	_ =	shalt  }
0x68: {  	_ =	shalt  }
0x69: {  	_ =	shalt  }
0x6a: {  	_ =	shalt  }
0x6b: {  	_ =	shalt  }
0x6c: {  	_ =	shalt  }
0x6d: {  	_ =	shalt  }
0x6e: {  	_ =	shalt  }
0x6f: {  	_ =	shalt  }
0x70: {  	_ =	shalt  }
0x71: {  	_ =	shalt  }
0x72: {  	_ =	shalt  }
0x73: {  	_ =	shalt  }
0x74: {  	_ =	shalt  }
0x75: {  	_ =	shalt  }
0x76: {  	_ =	shalt  }
0x77: {  	_ =	shalt  }
0x78: {  	_ =	shalt  }
0x79: {  	_ =	shalt  }
0x7a: {  	_ =	shalt  }
0x7b: {  	_ =	shalt  }
0x7c: {  	_ =	shalt  }
0x7d: {  	_ =	shalt  }
0x7e: {  	_ =	shalt  }
0x7f: {  	_ =	shalt  }
0x80: {  	_ =	shalt  }
0x81: {  	_ =	shalt  }
0x82: {  	_ =	shalt  }
0x83: {  	_ =	shalt  }
0x84: {  	_ =	shalt  }
0x85: {  	_ =	shalt  }
0x86: {  	_ =	shalt  }
0x87: {  	_ =	shalt  }
.Lfunc_end0:
.L_simem_size_0:
called_computation.2_lowered:
.L_overlay_start_0:
0x88: {  	s2 =	sld [smem:$0x3FD9]  }
0x89: {  	s3 =	sld [smem:$0x3FFE];
	_ =	sdelay $0x1  }
0x8a: {  	s1 =	srdreg.scid  }
0x8b: {  	s0 =	sand.u32 $0x1, s1  }
0x8c: {  	s16 =	sshll.u32 s0, $0xA;
	s2 =	sadd.s32 s3, s2  }
0x8d: {  	s2 =	sadd.s32 s2, s16  }
0x8e: {  	[smem:$0x3FAF] =	sst s2  }
0x8f: {  	_ = 	snop  }
0x90: {  	(tm) =	ssettm $0x1  }
0x91: {  	s17 =	sld [smem:$0x3FFB];
	_ =	sdelay $0x3  }
0x92: {  	_ =	strace s17  }
0x93: {  	s2 =	sld [smem:$0x3FFC];
	_ =	sdelay $0x3  }
0x94: {  	_ =	strace s2  }
0x95: {  	s2 =	sld [smem:$0x3FFD];
	_ =	sdelay $0x3  }
0x96: {  	_ =	strace s2  }
0x97: {  	_ =	strace $0x8FFFFFFF  }
0x98: {  	s18 =	sld [smem:$0x3FDB];
	_ =	sdelay $0x1  }
0x99: {  	s19 =	simm.s32 $_scs_section_size  }
0x9a: {  	s4 =	simm.s32 $_size__tile_overlayer_lowered;
	s5 =	simm.s32 $_tile_overlayer_lowered  }
0x9b: {  	s22 =	simm.s32 $0x1BFF;
	s21 =	sshll.u32 s5, $0x1;
	s2 =	sadd.s32 s19, s18  }
0x9c: {  	s6 =	simm.s32 $0x0;
	s20 =	sshll.u32 s4, $0x1;
	s4 =	sadd.s32 s21, s2  }
0x9d: {  	[timem:s6], [sflag:s22] =	dma.local [hbm:s4], s20  }
0x9e: {  	_ =	swait.ge [sflag:s22], s20  }
0x9f: {  	s3 =	ssub.s32 $0x0, s20;
	[sflag:s22] =	ssyncset.done $0x0  }
0xa0: {  	[sflag:s22] =	ssyncadd.s32 s3;
	_ =	sdelay $0x1  }
0xa1: {  	s23 =	simm.s32 $0x1B8B  }
0xa2: {  	_ =	swait.ge [sflag:s23], $0x1  }
0xa3: {  	[sflag:s23] =	ssyncset.done $0x0  }
0xa4: {  	s25 =	simm.s32 $0x1B8E;
	s24 =	sld [smem:$0x3FFE];
	[sflag:s23] =	ssyncadd.s32 $0xFFFFFFFF  }
0xa5: {  	s26 =	simm.s32 $execute0_lowered;
	[smem:$0x3FD2] =	sst s25  }
0xa6: {  	s4 =	sshll.u32 s26, $0x1;
	_ =	strace $0x8000004C;
	[dreg:$0x1] =	wrdreg $0xFFFFFFFF  }
0xa7: {  	s28 =	simm.s32 $_size_execute0_lowered;
	s2 =	sadd.s32 s2, s4;
	[dreg:$0x0] =	wrdreg $0x0  }
0xa8: {  	s4 =	sshll.u32 s28, $0x1;
	[dreg:$0x2] =	wrdreg s2  }
0xa9: {  	[dreg:$0x3] =	wrdreg s4  }
0xaa: {  	[dreg:$0x4] =	wrdreg $0xC0  }
0xab: {  	_ =	task [dreg:s6], $0x5FFFF  }
0xac: {  	[dreg:$0x1] =	wrdreg $0xFFFFFFFF  }
0xad: {  	[dreg:$0x0] =	wrdreg $0x60  }
0xae: {  	[dreg:$0x2] =	wrdreg s24  }
0xaf: {  	[dreg:$0x3] =	wrdreg $0x9  }
0xb0: {  	_ =	task.clear_ibuf [dreg:s6], $0x4FFFF;
	_ =	strace $0x9000004C  }
0xb1: {  	s29 =	simm.s32 $0x9;
	_ =	strace $0x8000004E  }
0xb2: {  	_ =	swait.ge [sflag:s29], $0x1  }
0xb3: {  	[sflag:s29] =	ssyncadd.s32 $0xFFFFFFFF  }
0xb4: {  	_ =	strace $0x9000004E  }
0xb5: {  	_ =	sfence  }
0xb6: {  	s30 =	sld [smem:$0x0];
	_ =	sdelay $0x2  }
0xb7: {  	s31 =	sshll.u32 s1, $0xD;
	s1 =	sshrl.u32 s1, $0x2  }
0xb8: {  	s3 =	sand.u32 $0x4000, s31;
	s1 =	sadd.s32 s1, s30  }
0xb9: {  	s0 =	sor.u32 s3, s0;
	s1 =	sshll.u32 s1, $0x11  }
0xba: {  	s0 =	sor.u32 s1, s0  }
0xbb: {  	s0 =	sadd.s32 $0x8F2B, s0  }
0xbc: {  	[sflag:s0] =	ssyncadd.remote.s32 $0x1  }
0xbd: {  	_ =	sfence.sel $0xFFFF  }
0xbe: {  	[dreg:$0x0] =	wrdreg $0xFFFFFFFF;
	(pc) =	sbr.abs _section_cstart, $3  }
0xbf: {  	[dreg:$0x1] =	wrdreg $0xFFFFFFFF  }
0xc0: {  	_ =	task.clear_ibuf [dreg:s6], $0x2FFFF;
	_ =	strace $0x9FFFFFFF  }
0xc1: {  	(tm) =	ssettm $0x7FFFFFFF  }
tec
execute0_lowered:
.L_overlay_start_1:
0x0: {  	(tag) =	ssettag $0x1  }
0x1: {  	s1 =	srdreg.scid;
	s0 =	stileid.u32  }
0x2: {  	s4 =	rddreg [dreg:$0x0];
	s2 =	simm.s32 $0x0;
	s8 =	simm.s32 $0x80  }
0x3: {  	s9 =	simm.s32 $0x1;
	s3 =	sand.u32 $0x1, s1;
	s30 =	sshll.u32 s0, $0x1  }
0x4: {  	s10 =	simm.s32 $0x1400;
	s1 =	rddreg [dreg:$0x1];
	s5 =	sor.u32 s3, s30  }
0x5: {  	s11 =	simm.s32 $0x0;
	[smem:$0x7FF] =	sst s2;
	s6 =	smul.u32 $0x280, s5  }
0x6: {  	_ =	strace $0x8000004D;
	s7 =	ssub.s32 $0x2, s3;
	s5 =	smul.u32 $0x2800, s5  }
0x7: {  	s3 =	sadd.s32 $0x2DA00, s4;
	s31 =	sshrl.u32 s7, $0x1;
	s6 =	sadd.s32 s6, s4  }
0x8: {  	s7 =	ssub.s32 s7, s31;
	s5 =	sadd.s32 s5, s4;
	s4 =	sadd.s32 $0x37A00, s6  }
0x9: {  	s5 =	sadd.s32 $0x41A00, s5;
	s6 =	smax.u32 s7, $0x1;
	s7 =	simm.s32 $0x2  }
.LBB2_1:
0xa: {  	[tilespmem:s2], [sflag:$0x2] =	stream.linear.gather [hbm4b:s4+s2], $0x1400, $0x38;
	[tilespmem:$0x15400] =	vst v63  }
0xb: {  	_ =	swait.ge [sflag:s7], $0x1400  }
0xc: {  	[sflag:s7] =	ssyncset.done $0x0  }
0xd: {  	s12 =	simm.s32 $0x1400;
	s13 =	simm.s32 $0x0;
	[sflag:s7] =	ssyncadd.s32 $0xFFFFEC00  }
.LBB2_2:
0xe: {  	p0 =	sne.s32 s13, $0x4E00  }
.Ltmp0:
0xf: {  	_ = 	snop;
	(pc) =	sbr.rel @p0 .LBB2_2-.Ltmp0, $4  }
0x10: {  	_ = 	snop  }
0x11: {  	s14 =	sshra.s32 s13, $0x2  }
0x12: {  	[tilespmem:s12], [sflag:$0x1] =	stream.indirect.gather [hbm4b:s3+s8], $0x10, s14, s8, $0xb8;
	[tilespmem:$0x15400] =	vst v63  }
0x13: {  	s13 =	sadd.s32 $0x200, s13;
	s12 =	sadd.s32 $0x800, s12  }
0x14: {  	_ =	swait.ge [sflag:s9], $0x800  }
0x15: {  	s12 =	simm.s32 $0x27;
	[sflag:s9] =	ssyncset.done $0x0  }
.LBB2_4:
0x16: {  	p0 =	sne.s32 s12, $0x1;
	s12 =	sadd.s32 $0xFFFFFFFF, s12;
	[sflag:s9] =	ssyncadd.s32 $0xFFFFF800  }
.Ltmp1:
0x17: {  	(pc) =	sbr.rel @p0 .LBB2_4-.Ltmp1, $3  }
0x18: {  	_ =	sdelay $0x1  }
0x19: {  	_ =	swait.ge [sflag:s9], $0x800  }
0x1a: {  	[sflag:s9] =	ssyncset.done $0x0  }
0x1b: {  	s11 =	sadd.s32 $0x1, s11  }
0x1c: {  	p0 =	sne.s32 s11, s6  }
.Ltmp2:
0x1d: {  	[sflag:s9] =	ssyncadd.s32 $0xFFFFF800;
	(pc) =	sbr.rel @p0 .LBB2_1-.Ltmp2, $4  }
0x1e: {  	[hbm4b:s5+s2] =	stream.linear.scatter [tilespmem:s10], [sflag:$0x2], $0x14000, $0x38;
	[tilespmem:$0x15400] =	vst v63  }
0x1f: {  	_ =	swait.ge [sflag:s7], $0x14000  }
0x20: {  	[sflag:s7] =	ssyncset.done $0x0  }
0x21: {  	[sflag:s7] =	ssyncadd.s32 $0xFFFEC000  }
0x22: {  	_ =	sfence.sel $0x180000  }
0x23: {  	[bflag:$0x0] =	sbarrier.arrive $0xFFFF  }
0x24: {  	p0 =	sne.s32 s0, $0x0;
	_ =	strace $0x9000004D  }
0x25: {  	s0 =	sadd.s32 @!p0 $0x100000, s1;
	[bflag:$0x2] =	sbarrier.arrive $0xFFFF  }
0x26: {  	[sflag:s0] =	ssyncadd.tile.s32 @!p0 $0x1;
	_ =	shalt  }
.Lfunc_end2:
_tile_overlayer_lowered:
.L_overlay_start_2:
0x27: {  	(tag) =	ssettag $0x2  }
0x28: {  	s0 =	rddreg [dreg:$0x0];
	s2 =	stileid.u32  }
0x29: {  	s1 =	rddreg [dreg:$0x1];
	p0 =	sne.s32 s2, $0x0  }
0x2a: {  	s3 =	rddreg [dreg:$0x2];
	[bflag:$0x3] =	sbarrier.arrive $0xFFFF;
	s2 =	simm.s32 @!p0 $0x1C02  }
0x2b: {  	[timem:s3], [sflag:s2] =	dma.local @!p0 [hbm:s0], s1  }
0x2c: {  	s0 =	simm.s32 @!p0 $0x2  }
0x2d: {  	_ =	swait.ge @!p0 [sflag:s0], s1  }
0x2e: {  	s1 =	ssub.s32 @!p0 $0x0, s1;
	[sflag:s0] =	ssyncset.done @!p0 $0x0  }
0x2f: {  	[sflag:s0] =	ssyncadd.s32 @!p0 s1  }
0x30: {  	[bflag:$0x3] =	sbarrier.arrive $0xFFFF  }
0x31: {  	_ =	shalt  }

// kernel: kernel.20.cloned.1.call-start
scs
__scs_entry_jumppad:
0x0: {  	(pc) =	sbr.rel $0x88, $3  }
0x1: {  	(tag) =	ssettag $0x0;
	lr =	simm.s32 $0x1  }
0x2: {  	[smem:$0x3F88] =	sst lr;
	_ =	strace $0xD0000000  }
0x3: {  	_ = 	snop  }
0x4: {  	_ = 	snop  }
0x5: {  	_ = 	snop  }
0x6: {  	_ = 	snop  }
0x7: {  	_ = 	snop  }
__scs_overlays_trampoline_lowered:
0x8: {  	[smem:$0x3F97] =	sst s0  }
0x9: {  	[smem:$0x3F98] =	sst s1  }
0xa: {  	[smem:$0x3F99] =	sst s2  }
0xb: {  	[smem:$0x3F9A] =	sst s3  }
0xc: {  	[smem:$0x3F9B] =	sst s4  }
0xd: {  	[smem:$0x3F9C] =	sst s5  }
0xe: {  	[smem:$0x3F9D] =	sst s6  }
0xf: {  	[smem:$0x3F9E] =	sst s7  }
0x10: {  	[smem:$0x3F9F] =	sst s8  }
0x11: {  	[smem:$0x3FA0] =	sst s9;
	s0 =	simm.s32 @!p0 $0x0  }
0x12: {  	s1 =	sld [smem:$0x3F86];
	s0 =	simm.s32 @p0 $0x1  }
0x13: {  	[smem:$0x3FA1] =	sst s0;
	s0 =	simm.s32 @!p1 $0x0  }
0x14: {  	s2 =	sld [smem:$0x3F85];
	s0 =	simm.s32 @p1 $0x1  }
0x15: {  	[smem:$0x3FA2] =	sst s0;
	s0 =	simm.s32 @!p2 $0x0  }
0x16: {  	s3 =	sld [smem:$0x3FDB];
	s0 =	simm.s32 @p2 $0x1  }
0x17: {  	s4 =	simm.s32 $0x1BF5;
	[smem:$0x3FA4] =	sst s0  }
0x18: {  	s0 =	sld [smem:$0x3F87];
	_ =	swait.ge [sflag:s4], $0x0  }
0x19: {  	s7 =	sld [smem:$0x3F88]  }
0x1a: {  	s8 =	sadd.s32 $0xFFFFE003, lr  }
0x1b: {  	s9 =	sadd.s32 $0xFFFFFEF7, lr;
	s5 =	simm.s32 $0xFFFFFFFF;
	p2 =	slt.u32 s8, $0xFFFFF086  }
0x1c: {  	p1 =	slt.u32 s9, $0xF7A;
	s5 =	simm.s32 @!p2 $0x0  }
0x1d: {  	s5 =	simm.s32 @p1 $0x1;
	p0 =	seq.s32 s7, s2  }
0x1e: {  	s7 =	smul.u32 @!p0 $0xF7A, s2;
	p2 =	seq.s32 @!p0 s5, $0x0  }
0x1f: {  	s9 =	smul.u32 $0xF7A, s1;
	s8 =	simm.s32 @!p0 $0x1BF5;
	p2 =	por !p2, p0  }
0x20: {  	[sflag:s8] =	ssyncset.s32 @!p0 $0xFFFFF086;
	s6 =	sadd.s32 @!p0 s3, s7;
	s7 =	simm.s32 @!p0 $0x108  }
0x21: {  	s3 =	sadd.s32 s3, s9;
	s6 =	sadd.s32 @!p0 $0x88, s6;
	s7 =	simm.s32 @p2 $0x1082  }
0x22: {  	[simem:s7], [sflag:s8] =	dma.local @!p0 [hbm:s6], $0xF7A  }
0x23: {  	s9 =	sor.u32 $0xD0000000, s2;
	s6 =	simm.s32 $0x108;
	_ =	swait.ge @!p0 [sflag:s8], $0x0  }
0x24: {  	s3 =	sadd.s32 $0x88, s3;
	s6 =	simm.s32 @!p1 $0x1082;
	[sflag:s4] =	ssyncset.s32 $0xFFFFF086  }
0x25: {  	[simem:s6], [sflag:s4] =	dma.local [hbm:s3], $0xF7A  }
0x26: {  	[smem:$0x3F88] =	sst s1;
	(tag) =	ssettag s2;
	_ =	strace s9  }
0x27: {  	s1 =	sld [smem:$0x3F98]  }
0x28: {  	s2 =	sld [smem:$0x3F99]  }
0x29: {  	s4 =	sld [smem:$0x3F9B]  }
0x2a: {  	p0 =	seq.s32 s5, $0x0;
	s5 =	sld [smem:$0x3F9C]  }
0x2b: {  	s6 =	sld [smem:$0x3F9D]  }
0x2c: {  	s7 =	sld [smem:$0x3F9E]  }
0x2d: {  	s3 =	simm.s32 $0x108;
	s8 =	sld [smem:$0x3F9F]  }
0x2e: {  	s3 =	simm.s32 @!p0 $0x1082;
	s9 =	sld [smem:$0x3FA0]  }
0x2f: {  	lr =	sadd.s32 s0, s3;
	s0 =	sld [smem:$0x3F97]  }
0x30: {  	s3 =	sld [smem:$0x3F9A]  }
0x31: {  	[smem:$0x3FA3] =	sst s10  }
0x32: {  	s10 =	sld [smem:$0x3FA1];
	_ =	sdelay $0x3  }
0x33: {  	p0 =	seq.s32 s10, $0x1;
	s10 =	sld [smem:$0x3FA3];
	_ =	sdelay $0x3  }
0x34: {  	[smem:$0x3FA3] =	sst s10  }
0x35: {  	s10 =	sld [smem:$0x3FA2];
	_ =	sdelay $0x3  }
0x36: {  	p1 =	seq.s32 s10, $0x1;
	s10 =	sld [smem:$0x3FA3];
	_ =	sdelay $0x3  }
0x37: {  	[smem:$0x3FA3] =	sst s10  }
0x38: {  	s10 =	sld [smem:$0x3FA4]  }
0x39: {  	_ = 	snop;
	(pc) =	sbr.ind lr, $3  }
0x3a: {  	_ = 	snop  }
0x3b: {  	_ = 	snop  }
0x3c: {  	p2 =	seq.s32 s10, $0x1;
	s10 =	sld [smem:$0x3FA3]  }
0x3d: {  	_ =	shalt  }
0x3e: {  	_ =	shalt  }
0x3f: {  	_ =	shalt  }
0x40: {  	_ =	shalt  }
0x41: {  	_ =	shalt  }
0x42: {  	_ =	shalt  }
0x43: {  	_ =	shalt  }
0x44: {  	_ =	shalt  }
0x45: {  	_ =	shalt  }
0x46: {  	_ =	shalt  }
0x47: {  	_ =	shalt  }
0x48: {  	_ =	shalt  }
0x49: {  	_ =	shalt  }
0x4a: {  	_ =	shalt  }
0x4b: {  	_ =	shalt  }
0x4c: {  	_ =	shalt  }
0x4d: {  	_ =	shalt  }
0x4e: {  	_ =	shalt  }
0x4f: {  	_ =	shalt  }
0x50: {  	_ =	shalt  }
0x51: {  	_ =	shalt  }
0x52: {  	_ =	shalt  }
0x53: {  	_ =	shalt  }
0x54: {  	_ =	shalt  }
0x55: {  	_ =	shalt  }
0x56: {  	_ =	shalt  }
0x57: {  	_ =	shalt  }
0x58: {  	_ =	shalt  }
0x59: {  	_ =	shalt  }
0x5a: {  	_ =	shalt  }
0x5b: {  	_ =	shalt  }
0x5c: {  	_ =	shalt  }
0x5d: {  	_ =	shalt  }
0x5e: {  	_ =	shalt  }
0x5f: {  	_ =	shalt  }
0x60: {  	_ =	shalt  }
0x61: {  	_ =	shalt  }
0x62: {  	_ =	shalt  }
0x63: {  	_ =	shalt  }
0x64: {  	_ =	shalt  }
0x65: {  	_ =	shalt  }
0x66: {  	_ =	shalt  }
0x67: {  	_ =	shalt  }
0x68: {  	_ =	shalt  }
0x69: {  	_ =	shalt  }
0x6a: {  	_ =	shalt  }
0x6b: {  	_ =	shalt  }
0x6c: {  	_ =	shalt  }
0x6d: {  	_ =	shalt  }
0x6e: {  	_ =	shalt  }
0x6f: {  	_ =	shalt  }
0x70: {  	_ =	shalt  }
0x71: {  	_ =	shalt  }
0x72: {  	_ =	shalt  }
0x73: {  	_ =	shalt  }
0x74: {  	_ =	shalt  }
0x75: {  	_ =	shalt  }
0x76: {  	_ =	shalt  }
0x77: {  	_ =	shalt  }
0x78: {  	_ =	shalt  }
0x79: {  	_ =	shalt  }
0x7a: {  	_ =	shalt  }
0x7b: {  	_ =	shalt  }
0x7c: {  	_ =	shalt  }
0x7d: {  	_ =	shalt  }
0x7e: {  	_ =	shalt  }
0x7f: {  	_ =	shalt  }
0x80: {  	_ =	shalt  }
0x81: {  	_ =	shalt  }
0x82: {  	_ =	shalt  }
0x83: {  	_ =	shalt  }
0x84: {  	_ =	shalt  }
0x85: {  	_ =	shalt  }
0x86: {  	_ =	shalt  }
0x87: {  	_ =	shalt  }
.Lfunc_end0:
.L_simem_size_0:
called_computation.3_lowered:
.L_overlay_start_0:
0x88: {  	s2 =	sld [smem:$0x3FD9]  }
0x89: {  	s3 =	sld [smem:$0x3FFE];
	_ =	sdelay $0x1  }
0x8a: {  	s1 =	srdreg.scid  }
0x8b: {  	s0 =	sand.u32 $0x1, s1  }
0x8c: {  	s16 =	sshll.u32 s0, $0xA;
	s2 =	sadd.s32 s3, s2  }
0x8d: {  	s2 =	sadd.s32 s2, s16  }
0x8e: {  	[smem:$0x3FAF] =	sst s2  }
0x8f: {  	_ = 	snop  }
0x90: {  	(tm) =	ssettm $0x1  }
0x91: {  	s17 =	sld [smem:$0x3FFB];
	_ =	sdelay $0x3  }
0x92: {  	_ =	strace s17  }
0x93: {  	s2 =	sld [smem:$0x3FFC];
	_ =	sdelay $0x3  }
0x94: {  	_ =	strace s2  }
0x95: {  	s2 =	sld [smem:$0x3FFD];
	_ =	sdelay $0x3  }
0x96: {  	_ =	strace s2  }
0x97: {  	_ =	strace $0x8FFFFFFF  }
0x98: {  	s18 =	sld [smem:$0x3FDB];
	_ =	sdelay $0x1  }
0x99: {  	s19 =	simm.s32 $_scs_section_size  }
0x9a: {  	s4 =	simm.s32 $_size__tile_overlayer_lowered;
	s5 =	simm.s32 $_tile_overlayer_lowered  }
0x9b: {  	s22 =	simm.s32 $0x1BFF;
	s21 =	sshll.u32 s5, $0x1;
	s2 =	sadd.s32 s19, s18  }
0x9c: {  	s6 =	simm.s32 $0x0;
	s20 =	sshll.u32 s4, $0x1;
	s4 =	sadd.s32 s21, s2  }
0x9d: {  	[timem:s6], [sflag:s22] =	dma.local [hbm:s4], s20  }
0x9e: {  	_ =	swait.ge [sflag:s22], s20  }
0x9f: {  	s3 =	ssub.s32 $0x0, s20;
	[sflag:s22] =	ssyncset.done $0x0  }
0xa0: {  	[sflag:s22] =	ssyncadd.s32 s3;
	_ =	sdelay $0x1  }
0xa1: {  	s23 =	simm.s32 $0x1B8B  }
0xa2: {  	_ =	swait.ge [sflag:s23], $0x1  }
0xa3: {  	[sflag:s23] =	ssyncset.done $0x0  }
0xa4: {  	s25 =	simm.s32 $0x1B8E;
	s24 =	sld [smem:$0x3FFE];
	[sflag:s23] =	ssyncadd.s32 $0xFFFFFFFF  }
0xa5: {  	s26 =	simm.s32 $execute0_lowered;
	[smem:$0x3FD2] =	sst s25  }
0xa6: {  	s4 =	sshll.u32 s26, $0x1;
	_ =	strace $0x8000004F;
	[dreg:$0x1] =	wrdreg $0xFFFFFFFF  }
0xa7: {  	s28 =	simm.s32 $_size_execute0_lowered;
	s2 =	sadd.s32 s2, s4;
	[dreg:$0x0] =	wrdreg $0x0  }
0xa8: {  	s4 =	sshll.u32 s28, $0x1;
	[dreg:$0x2] =	wrdreg s2  }
0xa9: {  	[dreg:$0x3] =	wrdreg s4  }
0xaa: {  	[dreg:$0x4] =	wrdreg $0xC0  }
0xab: {  	_ =	task [dreg:s6], $0x5FFFF  }
0xac: {  	[dreg:$0x1] =	wrdreg $0xFFFFFFFF  }
0xad: {  	[dreg:$0x0] =	wrdreg $0x60  }
0xae: {  	[dreg:$0x2] =	wrdreg s24  }
0xaf: {  	[dreg:$0x3] =	wrdreg $0x154000  }
0xb0: {  	[dreg:$0x4] =	wrdreg $0x9  }
0xb1: {  	_ =	task.clear_ibuf [dreg:s6], $0x5FFFF;
	_ =	strace $0x9000004F  }
0xb2: {  	s29 =	simm.s32 $0x9;
	_ =	strace $0x80000051  }
0xb3: {  	_ =	swait.ge [sflag:s29], $0x1  }
0xb4: {  	[sflag:s29] =	ssyncadd.s32 $0xFFFFFFFF  }
0xb5: {  	_ =	strace $0x90000051  }
0xb6: {  	_ =	sfence  }
0xb7: {  	s30 =	sld [smem:$0x0];
	_ =	sdelay $0x2  }
0xb8: {  	s31 =	sshll.u32 s1, $0xD;
	s1 =	sshrl.u32 s1, $0x2  }
0xb9: {  	s3 =	sand.u32 $0x4000, s31;
	s1 =	sadd.s32 s1, s30  }
0xba: {  	s0 =	sor.u32 s3, s0;
	s1 =	sshll.u32 s1, $0x11  }
0xbb: {  	s0 =	sor.u32 s1, s0  }
0xbc: {  	s0 =	sadd.s32 $0x8F2B, s0  }
0xbd: {  	[sflag:s0] =	ssyncadd.remote.s32 $0x1  }
0xbe: {  	_ =	sfence.sel $0xFFFF  }
0xbf: {  	[dreg:$0x0] =	wrdreg $0xFFFFFFFF;
	(pc) =	sbr.abs _section_cstart, $3  }
0xc0: {  	[dreg:$0x1] =	wrdreg $0xFFFFFFFF  }
0xc1: {  	_ =	task.clear_ibuf [dreg:s6], $0x2FFFF;
	_ =	strace $0x9FFFFFFF  }
0xc2: {  	(tm) =	ssettm $0x7FFFFFFF  }
0xc3: {  	_ =	shalt  }
tec
execute0_lowered:
.L_overlay_start_1:
0x0: {  	(tag) =	ssettag $0x1  }
0x1: {  	s1 =	srdreg.scid;
	s5 =	rddreg [dreg:$0x0]  }
0x2: {  	s0 =	stileid.u32;
	s2 =	rddreg [dreg:$0x1]  }
0x3: {  	s4 =	sand.u32 $0x1, s1;
	s30 =	sshll.u32 s0, $0x1;
	s8 =	smul.u32 $0x2800, s0  }
0x4: {  	s3 =	simm.s32 $0x0;
	s1 =	sor.u32 s4, s30;
	s9 =	smul.u32 $0x28000, s4  }
0x5: {  	s13 =	simm.s32 $0x0;
	[smem:$0x7FF] =	sst s3;
	s6 =	smul.u32 $0x280, s1  }
0x6: {  	s31 =	sshll.u32 s0, $0x6;
	s4 =	ssub.s32 $0x2, s4;
	s7 =	smul.u32 $0x2800, s1  }
0x7: {  	s1 =	rddreg [dreg:$0x2];
	_ =	strace $0x80000050;
	s10 =	sshrl.u32 s8, $0x3  }
0x8: {  	s11 =	sshrl.u32 s4, $0x1;
	s12 =	sadd.s32 s8, s2;
	s9 =	sadd.s32 s8, s9  }
0x9: {  	s10 =	sadd.s32 s10, s5;
	s11 =	ssub.s32 s4, s11;
	s6 =	sadd.s32 s6, s5  }
0xa: {  	s7 =	sadd.s32 s7, s5;
	s9 =	sshrl.u32 s9, $0x3;
	s4 =	sadd.s32 $0x3CA00, s10  }
0xb: {  	s10 =	sshrl.u32 s12, $0x3;
	s12 =	simm.s32 $0x80;
	s9 =	sadd.s32 s9, s5  }
0xc: {  	s5 =	sor.u32 $0x1C01, s31;
	s6 =	sadd.s32 $0x32A00, s6;
	s7 =	sadd.s32 $0x41A00, s7  }
0xd: {  	s8 =	sadd.s32 $0x91A00, s9;
	s9 =	smax.u32 s11, $0x1;
	s11 =	simm.s32 $0x1  }
.LBB2_1:
0xe: {  	[spmem:s10], [sflag:s5] =	dma.local [hbm:s4], $0x500  }
0xf: {  	_ =	swait.ge [sflag:s11], $0x500  }
0x10: {  	[sflag:s11] =	ssyncset.done $0x0  }
0x11: {  	[sflag:s11] =	ssyncadd.s32 $0xFFFFFB00  }
0x12: {  	[tilespmem:s3], [sflag:$0x1] =	stream.linear.gather [hbm4b:s6+s3], $0x1400, $0x38;
	[tilespmem:$0x17C00] =	vst v63  }
0x13: {  	_ =	swait.ge [sflag:s11], $0x1400  }
0x14: {  	[sflag:s11] =	ssyncset.done $0x0  }
0x15: {  	s14 =	simm.s32 $0x1400;
	[sflag:s11] =	ssyncadd.s32 $0xFFFFEC00  }
0x16: {  	[tilespmem:s14], [sflag:$0x1] =	stream.linear.gather [hbm4b:s7+s3], $0x14000, $0x38;
	[tilespmem:$0x17C00] =	vst v63  }
0x17: {  	_ =	swait.ge [sflag:s11], $0x14000  }
0x18: {  	[sflag:s11] =	ssyncset.done $0x0  }
0x19: {  	[sflag:s11] =	ssyncadd.s32 $0xFFFEC000  }
0x1a: {  	s15 =	simm.s32 $0x0;
	[bflag:$0x0] =	sbarrier.arrive $0xFFFF  }
0x1b: {  	[spmem:s2] =	stream.indirect.scatter.add.f32 [tilespmem:s14], [sflag:$0x1], $0x10, s15, s12, $0xb8;
	[tilespmem:$0x17C00] =	vst v63  }
0x1c: {  	_ =	swait.ge [sflag:s11], $0x800  }
0x1d: {  	s15 =	simm.s32 $0x200;
	[sflag:s11] =	ssyncset.done $0x0  }
.LBB2_2:
0x1e: {  	s16 =	sshra.s32 s15, $0x2  }
0x1f: {  	[sflag:s11] =	ssyncadd.s32 $0xFFFFF800;
	s14 =	sadd.s32 $0x800, s14;
	p0 =	sne.s32 s15, $0x4E00  }
0x20: {  	[spmem:s2] =	stream.indirect.scatter.add.f32 [tilespmem:s14], [sflag:$0x1], $0x10, s16, s12, $0xb8;
	[tilespmem:$0x17C00] =	vst v63  }
.Ltmp0:
0x21: {  	_ = 	snop;
	(pc) =	sbr.rel @p0 .LBB2_2-.Ltmp0, $4  }
0x22: {  	_ = 	snop  }
0x23: {  	s15 =	sadd.s32 $0x200, s15  }
0x24: {  	_ =	swait.ge [sflag:s11], $0x800  }
0x25: {  	[sflag:s11] =	ssyncset.done $0x0  }
0x26: {  	s13 =	sadd.s32 $0x1, s13  }
0x27: {  	[sflag:s11] =	ssyncadd.s32 $0xFFFFF800;
	p0 =	sne.s32 s13, s9  }
.Ltmp1:
0x28: {  	[bflag:$0x0] =	sbarrier.arrive $0xFFFF;
	(pc) =	sbr.rel @p0 .LBB2_1-.Ltmp1, $4  }
0x29: {  	[hbm:s8], [sflag:s5] =	dma.local [spmem:s10], $0x500  }
0x2a: {  	_ =	swait.ge [sflag:s11], $0x500  }
0x2b: {  	[sflag:s11] =	ssyncset.done $0x0  }
0x2c: {  	[sflag:s11] =	ssyncadd.s32 $0xFFFFFB00  }
0x2d: {  	_ =	sfence.sel $0x180000  }
0x2e: {  	[bflag:$0x0] =	sbarrier.arrive $0xFFFF  }
0x2f: {  	p0 =	sne.s32 s0, $0x0;
	_ =	strace $0x90000050  }
0x30: {  	s0 =	sadd.s32 @!p0 $0x100000, s1;
	[bflag:$0x2] =	sbarrier.arrive $0xFFFF  }
0x31: {  	[sflag:s0] =	ssyncadd.tile.s32 @!p0 $0x1;
	_ =	shalt  }
.Lfunc_end2:
_tile_overlayer_lowered:
.L_overlay_start_2:
0x32: {  	(tag) =	ssettag $0x2  }
0x33: {  	s0 =	rddreg [dreg:$0x0];
	s2 =	stileid.u32  }
0x34: {  	s1 =	rddreg [dreg:$0x1];
	p0 =	sne.s32 s2, $0x0  }
0x35: {  	s3 =	rddreg [dreg:$0x2];
	[bflag:$0x3] =	sbarrier.arrive $0xFFFF;
	s2 =	simm.s32 @!p0 $0x1C01  }
0x36: {  	[timem:s3], [sflag:s2] =	dma.local @!p0 [hbm:s0], s1  }
0x37: {  	s0 =	simm.s32 @!p0 $0x1  }
0x38: {  	_ =	swait.ge @!p0 [sflag:s0], s1  }
0x39: {  	s1 =	ssub.s32 @!p0 $0x0, s1;
	[sflag:s0] =	ssyncset.done @!p0 $0x0  }
0x3a: {  	[sflag:s0] =	ssyncadd.s32 @!p0 s1  }
0x3b: {  	[bflag:$0x3] =	sbarrier.arrive $0xFFFF  }
0x3c: {  	_ =	shalt  }

</sc_bundles>
